<compile_context>
chip_gen: v7x
topology: tpu7x:2x2x1
jax: 0.10.2.dev20260603
libtpu: 0.0.44.dev20260713+nightly
codegen_flags: <defaults>
</compile_context>

<pallas_src>
import jax
import jax.numpy as jnp
from jax import lax
from jax.experimental import pallas as pl
from jax.experimental.pallas import tpu as pltpu
from jax.experimental.pallas import tpu_sc as plsc

_NB, _NA, _NC, _NH, _NWG = 8, 3, 80, 64, 64
_AW = (0.05, 0.1, 0.2)
_AH = (0.08, 0.15, 0.3)
_NGT = 200
_NGP = 224
_NWORK = 14
_NCELL = _NB * _NA * _NH * _NWG
_NCELLBJ = _NB * _NH * _NWG
_EPS = 1e-7
_DROWS = 64
_NSTEP = _NB * _NH // _DROWS
_GPB = _NGP // _NSTEP


def _iou_anchor(w, h, aw, ah):
    inter = jnp.minimum(w, aw) * jnp.minimum(h, ah)
    union = w * h + aw * ah - inter + 1e-16
    return inter / union


def _best_anchor(w, h):
    i0 = _iou_anchor(w, h, _AW[0], _AH[0])
    i1 = _iou_anchor(w, h, _AW[1], _AH[1])
    i2 = _iou_anchor(w, h, _AW[2], _AH[2])
    best = jnp.where(i1 > i0, 1, 0)
    best = jnp.where(i2 > jnp.maximum(i0, i1), 2, best)
    return best, (i0, i1, i2)


def _sigmoid(x):
    return 1.0 / (1.0 + jnp.exp(-x))


def _sc_assign_body(gts_hbm, res_hbm, gts_v, asn_v):
    wid = lax.axis_index("s") * 2 + lax.axis_index("c")

    @pl.when(wid < _NWORK)
    def _():
        pltpu.sync_copy(gts_hbm, gts_v)
        base = wid * 16

        def fld(f):
            return gts_v[pl.ds(f * _NGP + base, 16)]

        bt, xf, yf, wf, hf = fld(0), fld(2), fld(3), fld(4), fld(5)
        best, _ = _best_anchor(wf, hf)
        bi = bt.astype(jnp.int32)
        gi = (xf * float(_NWG)).astype(jnp.int32)
        gj = (yf * float(_NH)).astype(jnp.int32)
        cell = (bi * _NH + gj) * _NWG + gi
        asn_v[pl.ds(0, 16)] = cell // 8
        asn_v[pl.ds(16, 16)] = cell - (cell // 8) * 8
        asn_v[pl.ds(32, 16)] = best
        pltpu.sync_copy(asn_v.at[pl.ds(0, 16)],
                        res_hbm.at[pl.ds(base, 16)])
        pltpu.sync_copy(asn_v.at[pl.ds(16, 16)],
                        res_hbm.at[pl.ds(_NGP + base, 16)])
        pltpu.sync_copy(asn_v.at[pl.ds(32, 16)],
                        res_hbm.at[pl.ds(2 * _NGP + base, 16)])


def _sparse_math(s_total, gtsr, gtsc, rows):
    f32 = jnp.float32

    def meta(fields):
        b, lab, x, y, w, h = fields
        best, ious = _best_anchor(w, h)
        bi = b.astype(jnp.int32)
        gi = (x * float(_NWG)).astype(jnp.int32)
        gj = (y * float(_NH)).astype(jnp.int32)
        cell = ((bi * _NA + best) * _NH + gj) * _NWG + gi
        anchor_cells = [((bi * _NA + a) * _NH + gj) * _NWG + gi
                        for a in range(_NA)]
        return best, cell, anchor_cells, ious, lab.astype(jnp.int32)

    col = [gtsc[:, k:k + 1] for k in range(6)]
    row = [gtsr[k:k + 1, :] for k in range(6)]
    best_c, cell_c, acells_c, ious_c, lab_c = meta(col)
    best_r, cell_r, acells_r, ious_r, lab_r = meta(row)

    sel = jnp.where(best_c == 0, rows[:, 0:85],
                    jnp.where(best_c == 1, rows[:, 85:170], rows[:, 170:255]))

    gidx_c = lax.broadcasted_iota(jnp.int32, (_NGP, 1), 0)
    gidx_r = lax.broadcasted_iota(jnp.int32, (1, _NGP), 1)
    valid_c = gidx_c < _NGT
    valid_r = gidx_r < _NGT

    eq = cell_c == cell_r
    later = gidx_r > gidx_c
    winner = valid_c & ~jnp.any(eq & later & valid_r, axis=1, keepdims=True)
    eql = (cell_c * _NC + lab_c) == (cell_r * _NC + lab_r)
    earlier = gidx_r < gidx_c
    labrep = valid_c & ~jnp.any(eql & earlier & valid_r, axis=1, keepdims=True)

    k3_c = jnp.concatenate(acells_c, axis=0)
    k3_r = jnp.concatenate(acells_r, axis=1)
    v3_c = jnp.concatenate(
        [(valid_c & ((best_c == a) | (ious_c[a] > 0.5))).astype(jnp.int32)
         for a in range(_NA)], axis=0) != 0
    v3_r = jnp.concatenate(
        [(valid_r & ((best_r == a) | (ious_r[a] > 0.5))).astype(jnp.int32)
         for a in range(_NA)], axis=1) != 0
    i3_c = lax.broadcasted_iota(jnp.int32, (_NA * _NGP, 1), 0)
    i3_r = lax.broadcasted_iota(jnp.int32, (1, _NA * _NGP), 1)
    first3 = v3_c & ~jnp.any((k3_c == k3_r) & (i3_r < i3_c) & v3_r,
                             axis=1, keepdims=True)
    conf3 = jnp.concatenate(
        [rows[:, a * 85 + 4:a * 85 + 5] for a in range(_NA)],
        axis=0)
    p3 = jnp.clip(_sigmoid(conf3), _EPS, 1.0 - _EPS)
    first3f = first3.astype(f32)
    s_nn = jnp.sum(first3f * (-jnp.log(1.0 - p3)))
    n_nn = jnp.sum(first3f)

    winf = winner.astype(f32)
    nm = jnp.sum(winf)
    n_noobj = float(_NCELL) - n_nn
    loss_conf_noobj = (s_total - s_nn) / jnp.maximum(n_noobj, 1.0)

    pobj = jnp.clip(_sigmoid(sel[:, 4:5]), _EPS, 1.0 - _EPS)
    objsum = jnp.sum(winf * (-jnp.log(pobj)))
    loss_conf_obj = objsum / jnp.maximum(nm, 1.0)
    loss_conf = 0.5 * loss_conf_noobj + 1.0 * loss_conf_obj

    xs = _sigmoid(sel[:, 0:1])
    ys = _sigmoid(sel[:, 1:2])
    ws = sel[:, 2:3]
    hs = sel[:, 3:4]
    aw = jnp.where(best_c == 0, _AW[0], jnp.where(best_c == 1, _AW[1], _AW[2]))
    ah = jnp.where(best_c == 0, _AH[0], jnp.where(best_c == 1, _AH[1], _AH[2]))
    tx = col[2] - jnp.floor(col[2])
    ty = col[3] - jnp.floor(col[3])
    reg = ((xs - tx) ** 2 + (ys - ty) ** 2
           + (ws - jnp.log(col[4] / aw + 1e-16)) ** 2
           + (hs - jnp.log(col[5] / ah + 1e-16)) ** 2)
    regsum = jnp.sum(winf * reg)
    loss_reg = regsum / jnp.maximum(nm, 1.0)

    logits = sel[:, 5:85]
    mx = jnp.max(logits, axis=1, keepdims=True)
    e = jnp.exp(logits - mx)
    sm = jnp.clip(e / jnp.sum(e, axis=1, keepdims=True), _EPS, 1.0 - _EPS)
    base_cls = jnp.sum(-jnp.log(1.0 - sm), axis=1, keepdims=True)
    onehot = (lax.broadcasted_iota(jnp.int32, (_NGP, _NC), 1)
              == lab_c).astype(f32)
    lterm = jnp.sum(onehot * (-jnp.log(sm) + jnp.log(1.0 - sm)),
                    axis=1, keepdims=True)
    clssum = jnp.sum(winf * base_cls) + jnp.sum(labrep.astype(f32) * lterm)
    loss_cls = clssum / jnp.maximum(float(_NC) * nm, 1.0)

    return nm * 1.0 * loss_reg + loss_conf + 1.0 * loss_cls * nm


def _tc_main_body(s_ref, dense_ref, gview_ref, gtsr_ref, gtsc_ref, out_ref,
                  raw_scr, stot_scr, sem):
    i = pl.program_id(0)

    def issue(k, _):
        g = i * _GPB + k
        tr = s_ref[g]
        pltpu.make_async_copy(gview_ref.at[pl.ds(tr, 1)],
                              raw_scr.at[pl.ds(g, 1)], sem).start()
        return 0

    lax.fori_loop(0, _GPB, issue, 0)

    s = jnp.float32(0.0)
    for a in range(_NA):
        c = a * (_NC + 5) + 4
        x = dense_ref[:, :, c]
        p = jnp.clip(_sigmoid(x), _EPS, 1.0 - _EPS)
        s = s + jnp.sum(-jnp.log(1.0 - p))

    @pl.when(i == 0)
    def _():
        stot_scr[0, 0] = jnp.float32(0.0)

    stot_scr[0, 0] += s

    @pl.when(i == _NSTEP - 1)
    def _():
        pltpu.make_async_copy(gview_ref.at[pl.ds(0, _NGP)], raw_scr,
                              sem).wait()
        xc = gtsc_ref[:, 2:3]
        yc = gtsc_ref[:, 3:4]
        bc = gtsc_ref[:, 0:1].astype(jnp.int32)
        gi = (xc * float(_NWG)).astype(jnp.int32)
        gj = (yc * float(_NH)).astype(jnp.int32)
        cell = (bc * _NH + gj) * _NWG + gi
        rw = cell - (cell // 8) * 8
        rows = jnp.zeros((_NGP, _NA * (_NC + 5)), jnp.float32)
        for r in range(8):
            m = (rw == r).astype(jnp.float32)
            rows = rows + raw_scr[:, r, :] * m
        total = _sparse_math(stot_scr[0, 0], gtsr_ref[...], gtsc_ref[...],
                             rows)
        out_ref[...] = jnp.broadcast_to(total, (1, 1))


@jax.jit
def kernel(out, gts, size):
    del size
    f32 = jnp.float32
    gts_t = jnp.pad(gts.astype(f32).T, ((0, 0), (0, _NGP - _NGT)))
    gts_t_flat = gts_t.reshape(-1)
    gts_t8 = jnp.pad(gts_t, ((0, 1), (0, 0)))
    gts_p = jnp.pad(gts.astype(f32), ((0, _NGP - _NGT), (0, 1)))

    assign = pl.kernel(
        _sc_assign_body,
        out_type=jax.ShapeDtypeStruct((3 * _NGP,), jnp.int32),
        mesh=plsc.VectorSubcoreMesh(core_axis_name="c", subcore_axis_name="s"),
        compiler_params=pltpu.CompilerParams(needs_layout_passes=False),
        scratch_types=[
            pltpu.VMEM((7 * _NGP,), f32),
            pltpu.VMEM((48,), jnp.int32),
        ],
    )(gts_t_flat)

    nch = _NA * (_NC + 5)
    dview = out.transpose(0, 2, 3, 1).reshape(_NB * _NH, _NWG, nch)
    gview = out.transpose(0, 2, 3, 1).reshape(_NCELLBJ // 8, 8, nch)

    total = pl.pallas_call(
        _tc_main_body,
        grid_spec=pltpu.PrefetchScalarGridSpec(
            num_scalar_prefetch=1,
            grid=(_NSTEP,),
            in_specs=[
                pl.BlockSpec((_DROWS, _NWG, nch), lambda i, s: (i, 0, 0)),
                pl.BlockSpec(memory_space=pl.MemorySpace.ANY),
                pl.BlockSpec((8, _NGP), lambda i, s: (0, 0)),
                pl.BlockSpec((_NGP, 8), lambda i, s: (0, 0)),
            ],
            out_specs=pl.BlockSpec((1, 1), lambda i, s: (0, 0)),
            scratch_shapes=[
                pltpu.VMEM((_NGP, 8, nch), f32),
                pltpu.SMEM((1, 1), f32),
                pltpu.SemaphoreType.DMA,
            ],
        ),
        out_shape=jax.ShapeDtypeStruct((1, 1), f32),
    )(assign, dview, gview, gts_t8, gts_p)
    return total[0, 0]

# --- scband reference (transcript-rebuilt; emitter-appended) ---
"""Pipeline reference for scband-yololoss-77008763617721 (READ-ONLY COPY).

The authoritative reference and input builder live on the scoring server;
editing this copy changes nothing except your own understanding.
"""

import jax, jax.numpy as jnp
import numpy as np

NUM_ANCHORS = 3
CLS_NUM = 80
ANCHORS = jnp.array([[0.05, 0.08], [0.1, 0.15], [0.2, 0.3]], dtype=jnp.float32)
OBJ_SCALE = 1.0
NOOBJ_SCALE = 0.5
IGNORE_THRESHOLD = 0.5
CLS_SCALE = 1.0
REG_SCALE = 1.0


def iou_wo_center(w1, h1, w2, h2):
    inter = jnp.minimum(w1, w2) * jnp.minimum(h1, h2)
    union = w1 * h1 + w2 * h2 - inter + 1e-16
    return inter / union


def bce(p, t):
    p = jnp.clip(p, 1e-7, 1.0 - 1e-7)
    return -(t * jnp.log(p) + (1.0 - t) * jnp.log(1.0 - p))


def masked_mean(v, m):
    return jnp.sum(v * m) / jnp.maximum(jnp.sum(m), 1.0)


def setup_inputs(seed: int = 0):
    key = jax.random.key(seed)
    k1, k2, k3, k4, k5 = jax.random.split(key, 5)
    nb, nh, nw = 8, 64, 64
    out = jax.random.normal(k1, (nb, NUM_ANCHORS * (CLS_NUM + 5), nh, nw), dtype=jnp.float32)
    n_gts = 200
    batch = jax.random.randint(k2, (n_gts,), 0, nb).astype(jnp.float32)
    labels = jax.random.randint(k3, (n_gts,), 0, CLS_NUM).astype(jnp.float32)
    xy = jax.random.uniform(k4, (n_gts, 2), minval=0.05, maxval=0.95)
    wh = jax.random.uniform(k5, (n_gts, 2), minval=0.02, maxval=0.3)
    gts = jnp.concatenate([batch[:, None], labels[:, None], xy, wh, jnp.zeros((n_gts, 1))], axis=1).astype(jnp.float32)
    size = jnp.array([512, 512], dtype=jnp.int32)
    return {"out": out, "gts": gts, "size": size}


def build_target(pd_bboxes, gts, nb, nh, nw):
    nA = NUM_ANCHORS
    nC = CLS_NUM
    gt_boxes = gts[:, 2:6]
    gws = gt_boxes[:, 2]
    ghs = gt_boxes[:, 3]
    ious = jnp.stack([iou_wo_center(gws, ghs, ANCHORS[a, 0], ANCHORS[a, 1]) for a in range(nA)])
    best_n = jnp.argmax(ious, axis=0)
    batch = gts[:, 0].astype(jnp.int32)
    labels = gts[:, 1].astype(jnp.int32)
    gis = (gt_boxes[:, 0] * nw).astype(jnp.int32)
    gjs = (gt_boxes[:, 1] * nh).astype(jnp.int32)
    obj_mask = jnp.zeros((nb, nA, nh, nw), dtype=bool).at[batch, best_n, gjs, gis].set(True)
    noobj = jnp.ones((nb, nA, nh, nw), dtype=jnp.int32).at[batch, best_n, gjs, gis].set(0)
    n_gts = gts.shape[0]
    ign = (ious.T > IGNORE_THRESHOLD).astype(jnp.int32)
    a_idx = jnp.broadcast_to(jnp.arange(nA)[None, :], (n_gts, nA))
    b_idx = jnp.broadcast_to(batch[:, None], (n_gts, nA))
    j_idx = jnp.broadcast_to(gjs[:, None], (n_gts, nA))
    i_idx = jnp.broadcast_to(gis[:, None], (n_gts, nA))
    noobj = noobj.at[b_idx, a_idx, j_idx, i_idx].min(1 - ign)
    noobj_mask = noobj.astype(bool)
    tbboxes = jnp.zeros((nb, nA, nh, nw, 4), dtype=jnp.float32).at[batch, best_n, gjs, gis].set(gt_boxes)
    tcls = jnp.zeros((nb, nA, nh, nw, nC), dtype=jnp.float32).at[batch, best_n, gjs, gis, labels].set(1.0)
    return obj_mask, noobj_mask, tbboxes, tcls, obj_mask.astype(jnp.float32)


def yolo_loss(out, gts):
    nb, nh, nw = out.shape[0], out.shape[2], out.shape[3]
    nA = NUM_ANCHORS
    nC = CLS_NUM
    pred = out.reshape(nb, nA, nC + 5, nh, nw).transpose(0, 1, 3, 4, 2)
    xs = jax.nn.sigmoid(pred[..., 0])
    ys = jax.nn.sigmoid(pred[..., 1])
    ws = pred[..., 2]
    hs = pred[..., 3]
    conf = jax.nn.sigmoid(pred[..., 4])
    cls_score = jax.nn.softmax(pred[..., 5:], axis=-1)
    gx, gy = jnp.meshgrid(jnp.arange(nw, dtype=jnp.float32), jnp.arange(nh, dtype=jnp.float32))
    aw = ANCHORS[:, 0].reshape(1, nA, 1, 1)
    ah = ANCHORS[:, 1].reshape(1, nA, 1, 1)
    pd_bboxes = jnp.stack([(xs + gx) / nw, (ys + gy) / nh, jnp.exp(ws) * aw, jnp.exp(hs) * ah], axis=-1)
    obj_mask, noobj_mask, tbboxes, tcls, tconf = build_target(pd_bboxes, gts, nb, nh, nw)
    objf = obj_mask.astype(jnp.float32)
    noobjf = noobj_mask.astype(jnp.float32)
    loss_conf_obj = masked_mean(bce(conf, tconf), objf)
    loss_conf_noobj = masked_mean(bce(conf, tconf), noobjf)
    loss_conf = NOOBJ_SCALE * loss_conf_noobj + OBJ_SCALE * loss_conf_obj
    txs = tbboxes[..., 0]
    tys = tbboxes[..., 1]
    tws = tbboxes[..., 2] / aw
    ths = tbboxes[..., 3] / ah
    loss_xy = masked_mean((xs - (txs - jnp.floor(txs))) ** 2, objf) + masked_mean((ys - (tys - jnp.floor(tys))) ** 2, objf)
    loss_wh = masked_mean((ws - jnp.log(tws + 1e-16)) ** 2, objf) + masked_mean((hs - jnp.log(ths + 1e-16)) ** 2, objf)
    loss_reg = loss_xy + loss_wh
    cls_mask = jnp.broadcast_to(objf[..., None], cls_score.shape)
    loss_cls = masked_mean(bce(cls_score, tcls), cls_mask)
    nm = jnp.sum(objf)
    total = nm * REG_SCALE * loss_reg + loss_conf + CLS_SCALE * loss_cls * nm
    return total


def reference(out, gts, size):
    return yolo_loss(out, gts)

if __name__ == "__main__":
    import jax
    _d = setup_inputs()
    print(jax.jit(kernel)(*tuple(_d.values())))

</pallas_src>

<mosaic_0001>
#map = affine_map<(d0, d1) -> (0)>
module attributes {stable_mosaic.version = 14 : i64} {
  func.func @_sc_assign_body(%arg0: i32, %arg1: i32, %arg2: memref<1568xf32, #tpu.memory_space<hbm>>, %arg3: memref<672xi32, #tpu.memory_space<hbm>>, %arg4: memref<1568xf32, #tpu.memory_space<vmem>>, %arg5: memref<48xi32, #tpu.memory_space<vmem>>) attributes {dimension_semantics = [#tpu.dimension_semantics<core_parallel>, #tpu.dimension_semantics<subcore_parallel>], iteration_bounds = array<i64: 2, 16>, scalar_prefetch = 0 : i64, scratch_operands = 2 : i64, tpu.core_type = #tpu.core_type<sc_vector_subcore>, window_params = [{transform_indices = #map}, {transform_indices = #map}]} {
    %mul3A = arith.constant 2 : i32
    %mul3A_0 = arith.muli %arg1, %mul3A : i32
    %add3A = arith.addi %mul3A_0, %arg0 : i32
    %lt3A = arith.constant 14 : i32
    %lt3A_1 = arith.cmpi slt, %add3A, %lt3A : i32
    %convert_element_type3A = arith.extui %lt3A_1 : i1 to i32
    %cond3A = arith.constant 0 : i32
    %cond3A_2 = arith.cmpi ne, %convert_element_type3A, %cond3A : i32
    scf.if %cond3A_2 {
      "tpu.region"() ({
        %run_scoped3A = tpu.sem_alloc : memref<!tpu.dma_semaphore, #tpu.memory_space<semaphore_mem>>
        tpu.enqueue_dma source(%arg2 : memref<1568xf32, #tpu.memory_space<hbm>>) target(%arg4 : memref<1568xf32, #tpu.memory_space<vmem>>) target_semaphore(%run_scoped3A : memref<!tpu.dma_semaphore, #tpu.memory_space<semaphore_mem>>)
        tpu.wait_dma2 semaphore(%run_scoped3A : memref<!tpu.dma_semaphore, #tpu.memory_space<semaphore_mem>>) src(%arg2 : memref<1568xf32, #tpu.memory_space<hbm>>) dst(%arg4 : memref<1568xf32, #tpu.memory_space<vmem>>)
        tpu.yield
      }) : () -> ()
      %mul3A_3 = arith.constant 16 : i32
      %mul3A_4 = arith.muli %add3A, %mul3A_3 : i32
      %add3A_5 = arith.constant 0 : i32
      %add3A_6 = arith.addi %add3A_5, %mul3A_4 : i32
      %get3A = arith.index_cast %add3A_6 : i32 to index
      %get3A_7 = tpu.vector_load %arg4[%get3A] {strides = array<i32>} : memref<1568xf32, #tpu.memory_space<vmem>>, vector<16xf32>,
      %add3A_8 = arith.constant 448 : i32
      %add3A_9 = arith.addi %add3A_8, %mul3A_4 : i32
      %get3A_10 = arith.index_cast %add3A_9 : i32 to index
      %get3A_11 = tpu.vector_load %arg4[%get3A_10] {strides = array<i32>} : memref<1568xf32, #tpu.memory_space<vmem>>, vector<16xf32>,
      %add3A_12 = arith.constant 672 : i32
      %add3A_13 = arith.addi %add3A_12, %mul3A_4 : i32
      %get3A_14 = arith.index_cast %add3A_13 : i32 to index
      %get3A_15 = tpu.vector_load %arg4[%get3A_14] {strides = array<i32>} : memref<1568xf32, #tpu.memory_space<vmem>>, vector<16xf32>,
      %add3A_16 = arith.constant 896 : i32
      %add3A_17 = arith.addi %add3A_16, %mul3A_4 : i32
      %get3A_18 = arith.index_cast %add3A_17 : i32 to index
      %get3A_19 = tpu.vector_load %arg4[%get3A_18] {strides = array<i32>} : memref<1568xf32, #tpu.memory_space<vmem>>, vector<16xf32>,
      %add3A_20 = arith.constant 1120 : i32
      %add3A_21 = arith.addi %add3A_20, %mul3A_4 : i32
      %get3A_22 = arith.index_cast %add3A_21 : i32 to index
      %get3A_23 = tpu.vector_load %arg4[%get3A_22] {strides = array<i32>} : memref<1568xf32, #tpu.memory_space<vmem>>, vector<16xf32>,
      %min3A = arith.constant 5.000000e-02 : f32
      %min3A_24 = vector.broadcast %min3A : f32 to vector<16xf32>
      %min3A_25 = arith.minimumf %get3A_19, %min3A_24 : vector<16xf32>
      %min3A_26 = arith.constant 8.000000e-02 : f32
      %min3A_27 = vector.broadcast %min3A_26 : f32 to vector<16xf32>
      %min3A_28 = arith.minimumf %get3A_23, %min3A_27 : vector<16xf32>
      %mul3A_29 = arith.mulf %min3A_25, %min3A_28 : vector<16xf32>
      %mul3A_30 = arith.mulf %get3A_19, %get3A_23 : vector<16xf32>
      %add3A_31 = arith.constant 4.000000e-03 : f32
      %add3A_32 = vector.broadcast %add3A_31 : f32 to vector<16xf32>
      %add3A_33 = arith.addf %mul3A_30, %add3A_32 : vector<16xf32>
      %sub3A = arith.subf %add3A_33, %mul3A_29 : vector<16xf32>
      %add3A_34 = arith.constant 1.000000e-16 : f32
      %add3A_35 = vector.broadcast %add3A_34 : f32 to vector<16xf32>
      %add3A_36 = arith.addf %sub3A, %add3A_35 : vector<16xf32>
      %div3A = arith.divf %mul3A_29, %add3A_36 : vector<16xf32>
      %min3A_37 = arith.constant 1.000000e-01 : f32
      %min3A_38 = vector.broadcast %min3A_37 : f32 to vector<16xf32>
      %min3A_39 = arith.minimumf %get3A_19, %min3A_38 : vector<16xf32>
      %min3A_40 = arith.constant 1.500000e-01 : f32
      %min3A_41 = vector.broadcast %min3A_40 : f32 to vector<16xf32>
      %min3A_42 = arith.minimumf %get3A_23, %min3A_41 : vector<16xf32>
      %mul3A_43 = arith.mulf %min3A_39, %min3A_42 : vector<16xf32>
      %mul3A_44 = arith.mulf %get3A_19, %get3A_23 : vector<16xf32>
      %add3A_45 = arith.constant 1.500000e-02 : f32
      %add3A_46 = vector.broadcast %add3A_45 : f32 to vector<16xf32>
      %add3A_47 = arith.addf %mul3A_44, %add3A_46 : vector<16xf32>
      %sub3A_48 = arith.subf %add3A_47, %mul3A_43 : vector<16xf32>
      %add3A_49 = arith.constant 1.000000e-16 : f32
      %add3A_50 = vector.broadcast %add3A_49 : f32 to vector<16xf32>
      %add3A_51 = arith.addf %sub3A_48, %add3A_50 : vector<16xf32>
      %div3A_52 = arith.divf %mul3A_43, %add3A_51 : vector<16xf32>
      %min3A_53 = arith.constant 2.000000e-01 : f32
      %min3A_54 = vector.broadcast %min3A_53 : f32 to vector<16xf32>
      %min3A_55 = arith.minimumf %get3A_19, %min3A_54 : vector<16xf32>
      %min3A_56 = arith.constant 3.000000e-01 : f32
      %min3A_57 = vector.broadcast %min3A_56 : f32 to vector<16xf32>
      %min3A_58 = arith.minimumf %get3A_23, %min3A_57 : vector<16xf32>
      %mul3A_59 = arith.mulf %min3A_55, %min3A_58 : vector<16xf32>
      %mul3A_60 = arith.mulf %get3A_19, %get3A_23 : vector<16xf32>
      %add3A_61 = arith.constant 6.000000e-02 : f32
      %add3A_62 = vector.broadcast %add3A_61 : f32 to vector<16xf32>
      %add3A_63 = arith.addf %mul3A_60, %add3A_62 : vector<16xf32>
      %sub3A_64 = arith.subf %add3A_63, %mul3A_59 : vector<16xf32>
      %add3A_65 = arith.constant 1.000000e-16 : f32
      %add3A_66 = vector.broadcast %add3A_65 : f32 to vector<16xf32>
      %add3A_67 = arith.addf %sub3A_64, %add3A_66 : vector<16xf32>
      %div3A_68 = arith.divf %mul3A_59, %add3A_67 : vector<16xf32>
      %gt3A = arith.cmpf ogt, %div3A_52, %div3A : vector<16xf32>
      %jit3A = arith.constant 1 : i32
      %jit3A_69 = arith.constant 0 : i32
      %broadcast_in_dim3A = vector.broadcast %jit3A : i32 to vector<16xi32>
      %broadcast_in_dim3A_70 = vector.broadcast %jit3A_69 : i32 to vector<16xi32>
      %select_n3A = arith.select %gt3A, %broadcast_in_dim3A, %broadcast_in_dim3A_70 : vector<16xi1>, vector<16xi32>
      %max3A = arith.maximumf %div3A, %div3A_52 : vector<16xf32>
      %gt3A_71 = arith.cmpf ogt, %div3A_68, %max3A : vector<16xf32>
      %jit3A_72 = arith.constant 2 : i32
      %broadcast_in_dim3A_73 = vector.broadcast %jit3A_72 : i32 to vector<16xi32>
      %select_n3A_74 = arith.select %gt3A_71, %broadcast_in_dim3A_73, %select_n3A : vector<16xi1>, vector<16xi32>
      %convert_element_type3A_75 = arith.fptosi %get3A_7 : vector<16xf32> to vector<16xi32>
      %mul3A_76 = arith.constant 6.400000e+01 : f32
      %mul3A_77 = vector.broadcast %mul3A_76 : f32 to vector<16xf32>
      %mul3A_78 = arith.mulf %get3A_11, %mul3A_77 : vector<16xf32>
      %convert_element_type3A_79 = arith.fptosi %mul3A_78 : vector<16xf32> to vector<16xi32>
      %mul3A_80 = arith.constant 6.400000e+01 : f32
      %mul3A_81 = vector.broadcast %mul3A_80 : f32 to vector<16xf32>
      %mul3A_82 = arith.mulf %get3A_15, %mul3A_81 : vector<16xf32>
      %convert_element_type3A_83 = arith.fptosi %mul3A_82 : vector<16xf32> to vector<16xi32>
      %mul3A_84 = arith.constant 64 : i32
      %mul3A_85 = vector.broadcast %mul3A_84 : i32 to vector<16xi32>
      %mul3A_86 = arith.muli %convert_element_type3A_75, %mul3A_85 : vector<16xi32>
      %add3A_87 = arith.addi %mul3A_86, %convert_element_type3A_83 : vector<16xi32>
      %mul3A_88 = arith.constant 64 : i32
      %mul3A_89 = vector.broadcast %mul3A_88 : i32 to vector<16xi32>
      %mul3A_90 = arith.muli %add3A_87, %mul3A_89 : vector<16xi32>
      %add3A_91 = arith.addi %mul3A_90, %convert_element_type3A_79 : vector<16xi32>
      %jit3A_92 = arith.constant 8 : i32
      %div3A_93 = vector.broadcast %jit3A_92 : i32 to vector<16xi32>
      %div3A_94 = arith.divsi %add3A_91, %div3A_93 : vector<16xi32>
      %sign3A = arith.constant 0 : i32
      %sign3A_95 = vector.broadcast %sign3A : i32 to vector<16xi32>
      %sign3A_96 = arith.cmpi sgt, %add3A_91, %sign3A_95 : vector<16xi32>
      %sign3A_97 = arith.extui %sign3A_96 : vector<16xi1> to vector<16xi32>
      %sign3A_98 = arith.constant 0 : i32
      %sign3A_99 = vector.broadcast %sign3A_98 : i32 to vector<16xi32>
      %sign3A_100 = arith.cmpi slt, %add3A_91, %sign3A_99 : vector<16xi32>
      %sign3A_101 = arith.extui %sign3A_100 : vector<16xi1> to vector<16xi32>
      %sign3A_102 = arith.subi %sign3A_97, %sign3A_101 : vector<16xi32>
      %sign3A_103 = arith.constant 0 : i32
      %sign3A_104 = arith.cmpi sgt, %jit3A_92, %sign3A_103 : i32
      %sign3A_105 = arith.extui %sign3A_104 : i1 to i32
      %sign3A_106 = arith.constant 0 : i32
      %sign3A_107 = arith.cmpi slt, %jit3A_92, %sign3A_106 : i32
      %sign3A_108 = arith.extui %sign3A_107 : i1 to i32
      %sign3A_109 = arith.subi %sign3A_105, %sign3A_108 : i32
      %ne3A = vector.broadcast %sign3A_109 : i32 to vector<16xi32>
      %ne3A_110 = arith.cmpi ne, %sign3A_102, %ne3A : vector<16xi32>
      %rem3A = vector.broadcast %jit3A_92 : i32 to vector<16xi32>
      %rem3A_111 = arith.remsi %add3A_91, %rem3A : vector<16xi32>
      %ne3A_112 = arith.constant 0 : i32
      %ne3A_113 = vector.broadcast %ne3A_112 : i32 to vector<16xi32>
      %ne3A_114 = arith.cmpi ne, %rem3A_111, %ne3A_113 : vector<16xi32>
      %and3A = arith.andi %ne3A_110, %ne3A_114 : vector<16xi1>
      %sub3A_115 = arith.constant 1 : i32
      %sub3A_116 = vector.broadcast %sub3A_115 : i32 to vector<16xi32>
      %sub3A_117 = arith.subi %div3A_94, %sub3A_116 : vector<16xi32>
      %select_n3A_118 = arith.select %and3A, %sub3A_117, %div3A_94 : vector<16xi1>, vector<16xi32>
      %swap3A = arith.constant 0 : index
      %swap3A_119 = tpu.vector_load %arg5[%swap3A] {strides = array<i32>} : memref<48xi32, #tpu.memory_space<vmem>>, vector<16xi32>,
      tpu.vector_store %arg5[%swap3A], %select_n3A_118 {strides = array<i32>} : memref<48xi32, #tpu.memory_space<vmem>>, vector<16xi32>,
      %jit3A_120 = arith.constant 8 : i32
      %div3A_121 = vector.broadcast %jit3A_120 : i32 to vector<16xi32>
      %div3A_122 = arith.divsi %add3A_91, %div3A_121 : vector<16xi32>
      %sign3A_123 = arith.constant 0 : i32
      %sign3A_124 = vector.broadcast %sign3A_123 : i32 to vector<16xi32>
      %sign3A_125 = arith.cmpi sgt, %add3A_91, %sign3A_124 : vector<16xi32>
      %sign3A_126 = arith.extui %sign3A_125 : vector<16xi1> to vector<16xi32>
      %sign3A_127 = arith.constant 0 : i32
      %sign3A_128 = vector.broadcast %sign3A_127 : i32 to vector<16xi32>
      %sign3A_129 = arith.cmpi slt, %add3A_91, %sign3A_128 : vector<16xi32>
      %sign3A_130 = arith.extui %sign3A_129 : vector<16xi1> to vector<16xi32>
      %sign3A_131 = arith.subi %sign3A_126, %sign3A_130 : vector<16xi32>
      %sign3A_132 = arith.constant 0 : i32
      %sign3A_133 = arith.cmpi sgt, %jit3A_120, %sign3A_132 : i32
      %sign3A_134 = arith.extui %sign3A_133 : i1 to i32
      %sign3A_135 = arith.constant 0 : i32
      %sign3A_136 = arith.cmpi slt, %jit3A_120, %sign3A_135 : i32
      %sign3A_137 = arith.extui %sign3A_136 : i1 to i32
      %sign3A_138 = arith.subi %sign3A_134, %sign3A_137 : i32
      %ne3A_139 = vector.broadcast %sign3A_138 : i32 to vector<16xi32>
      %ne3A_140 = arith.cmpi ne, %sign3A_131, %ne3A_139 : vector<16xi32>
      %rem3A_141 = vector.broadcast %jit3A_120 : i32 to vector<16xi32>
      %rem3A_142 = arith.remsi %add3A_91, %rem3A_141 : vector<16xi32>
      %ne3A_143 = arith.constant 0 : i32
      %ne3A_144 = vector.broadcast %ne3A_143 : i32 to vector<16xi32>
      %ne3A_145 = arith.cmpi ne, %rem3A_142, %ne3A_144 : vector<16xi32>
      %and3A_146 = arith.andi %ne3A_140, %ne3A_145 : vector<16xi1>
      %sub3A_147 = arith.constant 1 : i32
      %sub3A_148 = vector.broadcast %sub3A_147 : i32 to vector<16xi32>
      %sub3A_149 = arith.subi %div3A_122, %sub3A_148 : vector<16xi32>
      %select_n3A_150 = arith.select %and3A_146, %sub3A_149, %div3A_122 : vector<16xi1>, vector<16xi32>
      %mul3A_151 = arith.constant 8 : i32
      %mul3A_152 = vector.broadcast %mul3A_151 : i32 to vector<16xi32>
      %mul3A_153 = arith.muli %select_n3A_150, %mul3A_152 : vector<16xi32>
      %sub3A_154 = arith.subi %add3A_91, %mul3A_153 : vector<16xi32>
      %swap3A_155 = arith.constant 16 : index
      %swap3A_156 = tpu.vector_load %arg5[%swap3A_155] {strides = array<i32>} : memref<48xi32, #tpu.memory_space<vmem>>, vector<16xi32>,
      tpu.vector_store %arg5[%swap3A_155], %sub3A_154 {strides = array<i32>} : memref<48xi32, #tpu.memory_space<vmem>>, vector<16xi32>,
      %swap3A_157 = arith.constant 32 : index
      %swap3A_158 = tpu.vector_load %arg5[%swap3A_157] {strides = array<i32>} : memref<48xi32, #tpu.memory_space<vmem>>, vector<16xi32>,
      tpu.vector_store %arg5[%swap3A_157], %select_n3A_74 {strides = array<i32>} : memref<48xi32, #tpu.memory_space<vmem>>, vector<16xi32>,
      "tpu.region"() ({
        %run_scoped3A = tpu.sem_alloc : memref<!tpu.dma_semaphore, #tpu.memory_space<semaphore_mem>>
        %dma_start3A = arith.constant 0 : i32
        %dma_start3A_163 = tpu.memref_slice %arg5[%dma_start3A] : memref<48xi32, #tpu.memory_space<vmem>> -> memref<16xi32, #tpu.memory_space<vmem>>
        %dma_start3A_164 = tpu.memref_slice %arg3[%mul3A_4] : memref<672xi32, #tpu.memory_space<hbm>> -> memref<16xi32, #tpu.memory_space<hbm>>
        %dma_start3A_165 = tpu.memref_slice %arg3[%mul3A_4] : memref<672xi32, #tpu.memory_space<hbm>> -> memref<16xi32, #tpu.memory_space<hbm>>
        %dma_start3A_166 = arith.constant 0 : i32
        %dma_start3A_167 = tpu.memref_slice %arg5[%dma_start3A_166] : memref<48xi32, #tpu.memory_space<vmem>> -> memref<16xi32, #tpu.memory_space<vmem>>
        tpu.enqueue_dma source(%dma_start3A_167 : memref<16xi32, #tpu.memory_space<vmem>>) target(%dma_start3A_165 : memref<16xi32, #tpu.memory_space<hbm>>) target_semaphore(%run_scoped3A : memref<!tpu.dma_semaphore, #tpu.memory_space<semaphore_mem>>)
        %dma_wait3A = arith.constant 0 : i32
        %dma_wait3A_168 = tpu.memref_slice %arg5[%dma_wait3A] : memref<48xi32, #tpu.memory_space<vmem>> -> memref<16xi32, #tpu.memory_space<vmem>>
        %dma_wait3A_169 = tpu.memref_slice %arg3[%mul3A_4] : memref<672xi32, #tpu.memory_space<hbm>> -> memref<16xi32, #tpu.memory_space<hbm>>
        %dma_wait3A_170 = tpu.memref_slice %arg3[%mul3A_4] : memref<672xi32, #tpu.memory_space<hbm>> -> memref<16xi32, #tpu.memory_space<hbm>>
        %dma_wait3A_171 = arith.constant 0 : i32
        %dma_wait3A_172 = tpu.memref_slice %arg5[%dma_wait3A_171] : memref<48xi32, #tpu.memory_space<vmem>> -> memref<16xi32, #tpu.memory_space<vmem>>
        tpu.wait_dma2 semaphore(%run_scoped3A : memref<!tpu.dma_semaphore, #tpu.memory_space<semaphore_mem>>) src(%dma_wait3A_172 : memref<16xi32, #tpu.memory_space<vmem>>) dst(%dma_wait3A_170 : memref<16xi32, #tpu.memory_space<hbm>>)
        tpu.yield
      }) : () -> ()
      %add3A_159 = arith.constant 224 : i32
      %add3A_160 = arith.addi %add3A_159, %mul3A_4 : i32
      "tpu.region"() ({
        %run_scoped3A = tpu.sem_alloc : memref<!tpu.dma_semaphore, #tpu.memory_space<semaphore_mem>>
        %dma_start3A = arith.constant 16 : i32
        %dma_start3A_163 = tpu.memref_slice %arg5[%dma_start3A] : memref<48xi32, #tpu.memory_space<vmem>> -> memref<16xi32, #tpu.memory_space<vmem>>
        %dma_start3A_164 = tpu.memref_slice %arg3[%add3A_160] : memref<672xi32, #tpu.memory_space<hbm>> -> memref<16xi32, #tpu.memory_space<hbm>>
        %dma_start3A_165 = tpu.memref_slice %arg3[%add3A_160] : memref<672xi32, #tpu.memory_space<hbm>> -> memref<16xi32, #tpu.memory_space<hbm>>
        %dma_start3A_166 = arith.constant 16 : i32
        %dma_start3A_167 = tpu.memref_slice %arg5[%dma_start3A_166] : memref<48xi32, #tpu.memory_space<vmem>> -> memref<16xi32, #tpu.memory_space<vmem>>
        tpu.enqueue_dma source(%dma_start3A_167 : memref<16xi32, #tpu.memory_space<vmem>>) target(%dma_start3A_165 : memref<16xi32, #tpu.memory_space<hbm>>) target_semaphore(%run_scoped3A : memref<!tpu.dma_semaphore, #tpu.memory_space<semaphore_mem>>)
        %dma_wait3A = arith.constant 16 : i32
        %dma_wait3A_168 = tpu.memref_slice %arg5[%dma_wait3A] : memref<48xi32, #tpu.memory_space<vmem>> -> memref<16xi32, #tpu.memory_space<vmem>>
        %dma_wait3A_169 = tpu.memref_slice %arg3[%add3A_160] : memref<672xi32, #tpu.memory_space<hbm>> -> memref<16xi32, #tpu.memory_space<hbm>>
        %dma_wait3A_170 = tpu.memref_slice %arg3[%add3A_160] : memref<672xi32, #tpu.memory_space<hbm>> -> memref<16xi32, #tpu.memory_space<hbm>>
        %dma_wait3A_171 = arith.constant 16 : i32
        %dma_wait3A_172 = tpu.memref_slice %arg5[%dma_wait3A_171] : memref<48xi32, #tpu.memory_space<vmem>> -> memref<16xi32, #tpu.memory_space<vmem>>
        tpu.wait_dma2 semaphore(%run_scoped3A : memref<!tpu.dma_semaphore, #tpu.memory_space<semaphore_mem>>) src(%dma_wait3A_172 : memref<16xi32, #tpu.memory_space<vmem>>) dst(%dma_wait3A_170 : memref<16xi32, #tpu.memory_space<hbm>>)
        tpu.yield
      }) : () -> ()
      %add3A_161 = arith.constant 448 : i32
      %add3A_162 = arith.addi %add3A_161, %mul3A_4 : i32
      "tpu.region"() ({
        %run_scoped3A = tpu.sem_alloc : memref<!tpu.dma_semaphore, #tpu.memory_space<semaphore_mem>>
        %dma_start3A = arith.constant 32 : i32
        %dma_start3A_163 = tpu.memref_slice %arg5[%dma_start3A] : memref<48xi32, #tpu.memory_space<vmem>> -> memref<16xi32, #tpu.memory_space<vmem>>
        %dma_start3A_164 = tpu.memref_slice %arg3[%add3A_162] : memref<672xi32, #tpu.memory_space<hbm>> -> memref<16xi32, #tpu.memory_space<hbm>>
        %dma_start3A_165 = tpu.memref_slice %arg3[%add3A_162] : memref<672xi32, #tpu.memory_space<hbm>> -> memref<16xi32, #tpu.memory_space<hbm>>
        %dma_start3A_166 = arith.constant 32 : i32
        %dma_start3A_167 = tpu.memref_slice %arg5[%dma_start3A_166] : memref<48xi32, #tpu.memory_space<vmem>> -> memref<16xi32, #tpu.memory_space<vmem>>
        tpu.enqueue_dma source(%dma_start3A_167 : memref<16xi32, #tpu.memory_space<vmem>>) target(%dma_start3A_165 : memref<16xi32, #tpu.memory_space<hbm>>) target_semaphore(%run_scoped3A : memref<!tpu.dma_semaphore, #tpu.memory_space<semaphore_mem>>)
        %dma_wait3A = arith.constant 32 : i32
        %dma_wait3A_168 = tpu.memref_slice %arg5[%dma_wait3A] : memref<48xi32, #tpu.memory_space<vmem>> -> memref<16xi32, #tpu.memory_space<vmem>>
        %dma_wait3A_169 = tpu.memref_slice %arg3[%add3A_162] : memref<672xi32, #tpu.memory_space<hbm>> -> memref<16xi32, #tpu.memory_space<hbm>>
        %dma_wait3A_170 = tpu.memref_slice %arg3[%add3A_162] : memref<672xi32, #tpu.memory_space<hbm>> -> memref<16xi32, #tpu.memory_space<hbm>>
        %dma_wait3A_171 = arith.constant 32 : i32
        %dma_wait3A_172 = tpu.memref_slice %arg5[%dma_wait3A_171] : memref<48xi32, #tpu.memory_space<vmem>> -> memref<16xi32, #tpu.memory_space<vmem>>
        tpu.wait_dma2 semaphore(%run_scoped3A : memref<!tpu.dma_semaphore, #tpu.memory_space<semaphore_mem>>) src(%dma_wait3A_172 : memref<16xi32, #tpu.memory_space<vmem>>) dst(%dma_wait3A_170 : memref<16xi32, #tpu.memory_space<hbm>>)
        tpu.yield
      }) : () -> ()
    } else {
    }
    return
  }
}

module attributes {stable_mosaic.version = 14 : i64} {
  func.func @_tc_main_body(%arg0: i32, %arg1: memref<672xi32, #tpu.memory_space<smem>>, %arg2: memref<64x64x255xf32, #tpu.memory_space<vmem>>, %arg3: memref<4096x8x255xf32, #tpu.memory_space<any>>, %arg4: memref<8x224xf32, #tpu.memory_space<vmem>>, %arg5: memref<224x8xf32, #tpu.memory_space<vmem>>, %arg6: memref<1x1xf32, #tpu.memory_space<vmem>>, %arg7: memref<224x8x255xf32, #tpu.memory_space<vmem>>, %arg8: memref<1x1xf32, #tpu.memory_space<smem>>, %arg9: memref<!tpu.dma_semaphore, #tpu.memory_space<semaphore_mem>>) attributes {dimension_semantics = [#tpu.dimension_semantics<arbitrary>], iteration_bounds = array<i64: 8>, scalar_prefetch = 1 : i64, scratch_operands = 3 : i64, tpu.core_type = #tpu.core_type<tc>, window_params = [{transform_indices = @transform_0, window_bounds = array<i64: 64, 64, 255>}, {}, {pipeline_mode = #tpu.pipeline_mode<synchronous>, transform_indices = @transform_2, window_bounds = array<i64: 8, 224>}, {pipeline_mode = #tpu.pipeline_mode<synchronous>, transform_indices = @transform_3, window_bounds = array<i64: 224, 8>}, {pipeline_mode = #tpu.pipeline_mode<synchronous>, transform_indices = @transform_4, window_bounds = array<i64: 1, 1>}]} {
    %scan3A = arith.constant 0 : i32
    %scan3A_0 = arith.constant 28 : i32
    %scan3A_1 = arith.addi %scan3A, %scan3A_0 : i32
    %scan3A_2 = arith.constant 1 : i32
    scf.for %scan3A_109 = %scan3A to %scan3A_1 step %scan3A_2  : i32 {
      %mul3A = arith.constant 28 : i32
      %mul3A_110 = arith.muli %arg0, %mul3A : i32
      %add3A_111 = arith.addi %mul3A_110, %scan3A_109 : i32
      %get3A_112 = arith.index_cast %add3A_111 : i32 to index
      %get3A_113 = memref.load %arg1[%get3A_112] : memref<672xi32, #tpu.memory_space<smem>>
      %dma_start3A = arith.constant 0 : i32
      %dma_start3A_114 = arith.constant 0 : i32
      %dma_start3A_115 = tpu.memref_slice %arg7[%add3A_111, %dma_start3A, %dma_start3A_114] : memref<224x8x255xf32, #tpu.memory_space<vmem>> -> memref<1x8x255xf32, #tpu.memory_space<vmem>>
      %dma_start3A_116 = arith.constant 0 : i32
      %dma_start3A_117 = arith.constant 0 : i32
      %dma_start3A_118 = tpu.memref_slice %arg3[%get3A_113, %dma_start3A_116, %dma_start3A_117] : memref<4096x8x255xf32, #tpu.memory_space<any>> -> memref<1x8x255xf32, #tpu.memory_space<any>>
      tpu.enqueue_dma source(%dma_start3A_118 : memref<1x8x255xf32, #tpu.memory_space<any>>) target(%dma_start3A_115 : memref<1x8x255xf32, #tpu.memory_space<vmem>>) target_semaphore(%arg9 : memref<!tpu.dma_semaphore, #tpu.memory_space<semaphore_mem>>)
    }
    %scan3A_3 = arith.constant 28 : i32
    %get3A = arith.constant 0 : index
    %get3A_4 = arith.constant 0 : index
    %get3A_5 = arith.constant 4 : index
    %get3A_6 = vector.load %arg2[%get3A, %get3A_4, %get3A_5] : memref<64x64x255xf32, #tpu.memory_space<vmem>>, vector<64x64x1xf32>
    %get3A_7 = vector.shape_cast %get3A_6 : vector<64x64x1xf32> to vector<64x64xf32>
    %neg3A = arith.constant 0.000000e+00 : f32
    %neg3A_8 = vector.broadcast %neg3A : f32 to vector<64x64xf32>
    %neg3A_9 = arith.subf %neg3A_8, %get3A_7 : vector<64x64xf32>
    %exp3A = math.exp %neg3A_9 : vector<64x64xf32>
    %add3A = arith.constant 1.000000e+00 : f32
    %add3A_10 = vector.broadcast %add3A : f32 to vector<64x64xf32>
    %add3A_11 = arith.addf %add3A_10, %exp3A : vector<64x64xf32>
    %div3A = arith.constant 1.000000e+00 : f32
    %div3A_12 = vector.broadcast %div3A : f32 to vector<64x64xf32>
    %div3A_13 = arith.divf %div3A_12, %add3A_11 : vector<64x64xf32>
    %jit3A = arith.constant 1.000000e-07 : f32
    %jit3A_14 = arith.constant 0.99999988 : f32
    %max3A = vector.broadcast %jit3A : f32 to vector<64x64xf32>
    %max3A_15 = arith.maximumf %max3A, %div3A_13 : vector<64x64xf32>
    %min3A = vector.broadcast %jit3A_14 : f32 to vector<64x64xf32>
    %min3A_16 = arith.minimumf %min3A, %max3A_15 : vector<64x64xf32>
    %sub3A = arith.constant 1.000000e+00 : f32
    %sub3A_17 = vector.broadcast %sub3A : f32 to vector<64x64xf32>
    %sub3A_18 = arith.subf %sub3A_17, %min3A_16 : vector<64x64xf32>
    %log3A = math.log %sub3A_18 : vector<64x64xf32>
    %neg3A_19 = arith.constant 0.000000e+00 : f32
    %neg3A_20 = vector.broadcast %neg3A_19 : f32 to vector<64x64xf32>
    %neg3A_21 = arith.subf %neg3A_20, %log3A : vector<64x64xf32>
    %reduce_sum3A = vector.shape_cast %neg3A_21 : vector<64x64xf32> to vector<1x64x64xf32>
    %reduce_sum3A_22 = arith.constant dense<0.000000e+00> : vector<1xf32>
    %reduce_sum3A_23 = vector.multi_reduction <add>, %reduce_sum3A, %reduce_sum3A_22 [1, 2] : vector<1x64x64xf32> to vector<1xf32>
    %reduce_sum3A_24 = vector.shape_cast %reduce_sum3A_23 : vector<1xf32> to vector<1x1x1xf32>
    %reduce_sum3A_25 = vector.extract %reduce_sum3A_24[0, 0, 0] : f32 from vector<1x1x1xf32>
    %add3A_26 = arith.constant 0.000000e+00 : f32
    %add3A_27 = arith.addf %add3A_26, %reduce_sum3A_25 : f32
    %get3A_28 = arith.constant 0 : index
    %get3A_29 = arith.constant 0 : index
    %get3A_30 = arith.constant 89 : index
    %get3A_31 = vector.load %arg2[%get3A_28, %get3A_29, %get3A_30] : memref<64x64x255xf32, #tpu.memory_space<vmem>>, vector<64x64x1xf32>
    %get3A_32 = vector.shape_cast %get3A_31 : vector<64x64x1xf32> to vector<64x64xf32>
    %neg3A_33 = arith.constant 0.000000e+00 : f32
    %neg3A_34 = vector.broadcast %neg3A_33 : f32 to vector<64x64xf32>
    %neg3A_35 = arith.subf %neg3A_34, %get3A_32 : vector<64x64xf32>
    %exp3A_36 = math.exp %neg3A_35 : vector<64x64xf32>
    %add3A_37 = arith.constant 1.000000e+00 : f32
    %add3A_38 = vector.broadcast %add3A_37 : f32 to vector<64x64xf32>
    %add3A_39 = arith.addf %add3A_38, %exp3A_36 : vector<64x64xf32>
    %div3A_40 = arith.constant 1.000000e+00 : f32
    %div3A_41 = vector.broadcast %div3A_40 : f32 to vector<64x64xf32>
    %div3A_42 = arith.divf %div3A_41, %add3A_39 : vector<64x64xf32>
    %jit3A_43 = arith.constant 1.000000e-07 : f32
    %jit3A_44 = arith.constant 0.99999988 : f32
    %max3A_45 = vector.broadcast %jit3A_43 : f32 to vector<64x64xf32>
    %max3A_46 = arith.maximumf %max3A_45, %div3A_42 : vector<64x64xf32>
    %min3A_47 = vector.broadcast %jit3A_44 : f32 to vector<64x64xf32>
    %min3A_48 = arith.minimumf %min3A_47, %max3A_46 : vector<64x64xf32>
    %sub3A_49 = arith.constant 1.000000e+00 : f32
    %sub3A_50 = vector.broadcast %sub3A_49 : f32 to vector<64x64xf32>
    %sub3A_51 = arith.subf %sub3A_50, %min3A_48 : vector<64x64xf32>
    %log3A_52 = math.log %sub3A_51 : vector<64x64xf32>
    %neg3A_53 = arith.constant 0.000000e+00 : f32
    %neg3A_54 = vector.broadcast %neg3A_53 : f32 to vector<64x64xf32>
    %neg3A_55 = arith.subf %neg3A_54, %log3A_52 : vector<64x64xf32>
    %reduce_sum3A_56 = vector.shape_cast %neg3A_55 : vector<64x64xf32> to vector<1x64x64xf32>
    %reduce_sum3A_57 = arith.constant dense<0.000000e+00> : vector<1xf32>
    %reduce_sum3A_58 = vector.multi_reduction <add>, %reduce_sum3A_56, %reduce_sum3A_57 [1, 2] : vector<1x64x64xf32> to vector<1xf32>
    %reduce_sum3A_59 = vector.shape_cast %reduce_sum3A_58 : vector<1xf32> to vector<1x1x1xf32>
    %reduce_sum3A_60 = vector.extract %reduce_sum3A_59[0, 0, 0] : f32 from vector<1x1x1xf32>
    %add3A_61 = arith.addf %add3A_27, %reduce_sum3A_60 : f32
    %get3A_62 = arith.constant 0 : index
    %get3A_63 = arith.constant 0 : index
    %get3A_64 = arith.constant 174 : index
    %get3A_65 = vector.load %arg2[%get3A_62, %get3A_63, %get3A_64] : memref<64x64x255xf32, #tpu.memory_space<vmem>>, vector<64x64x1xf32>
    %get3A_66 = vector.shape_cast %get3A_65 : vector<64x64x1xf32> to vector<64x64xf32>
    %neg3A_67 = arith.constant 0.000000e+00 : f32
    %neg3A_68 = vector.broadcast %neg3A_67 : f32 to vector<64x64xf32>
    %neg3A_69 = arith.subf %neg3A_68, %get3A_66 : vector<64x64xf32>
    %exp3A_70 = math.exp %neg3A_69 : vector<64x64xf32>
    %add3A_71 = arith.constant 1.000000e+00 : f32
    %add3A_72 = vector.broadcast %add3A_71 : f32 to vector<64x64xf32>
    %add3A_73 = arith.addf %add3A_72, %exp3A_70 : vector<64x64xf32>
    %div3A_74 = arith.constant 1.000000e+00 : f32
    %div3A_75 = vector.broadcast %div3A_74 : f32 to vector<64x64xf32>
    %div3A_76 = arith.divf %div3A_75, %add3A_73 : vector<64x64xf32>
    %jit3A_77 = arith.constant 1.000000e-07 : f32
    %jit3A_78 = arith.constant 0.99999988 : f32
    %max3A_79 = vector.broadcast %jit3A_77 : f32 to vector<64x64xf32>
    %max3A_80 = arith.maximumf %max3A_79, %div3A_76 : vector<64x64xf32>
    %min3A_81 = vector.broadcast %jit3A_78 : f32 to vector<64x64xf32>
    %min3A_82 = arith.minimumf %min3A_81, %max3A_80 : vector<64x64xf32>
    %sub3A_83 = arith.constant 1.000000e+00 : f32
    %sub3A_84 = vector.broadcast %sub3A_83 : f32 to vector<64x64xf32>
    %sub3A_85 = arith.subf %sub3A_84, %min3A_82 : vector<64x64xf32>
    %log3A_86 = math.log %sub3A_85 : vector<64x64xf32>
    %neg3A_87 = arith.constant 0.000000e+00 : f32
    %neg3A_88 = vector.broadcast %neg3A_87 : f32 to vector<64x64xf32>
    %neg3A_89 = arith.subf %neg3A_88, %log3A_86 : vector<64x64xf32>
    %reduce_sum3A_90 = vector.shape_cast %neg3A_89 : vector<64x64xf32> to vector<1x64x64xf32>
    %reduce_sum3A_91 = arith.constant dense<0.000000e+00> : vector<1xf32>
    %reduce_sum3A_92 = vector.multi_reduction <add>, %reduce_sum3A_90, %reduce_sum3A_91 [1, 2] : vector<1x64x64xf32> to vector<1xf32>
    %reduce_sum3A_93 = vector.shape_cast %reduce_sum3A_92 : vector<1xf32> to vector<1x1x1xf32>
    %reduce_sum3A_94 = vector.extract %reduce_sum3A_93[0, 0, 0] : f32 from vector<1x1x1xf32>
    %add3A_95 = arith.addf %add3A_61, %reduce_sum3A_94 : f32
    %eq3A = arith.constant 0 : i32
    %eq3A_96 = arith.cmpi eq, %arg0, %eq3A : i32
    %convert_element_type3A = arith.extui %eq3A_96 : i1 to i32
    %cond3A = arith.constant 0 : i32
    %cond3A_97 = arith.cmpi ne, %convert_element_type3A, %cond3A : i32
    scf.if %cond3A_97 {
      %swap3A_109 = arith.constant 0.000000e+00 : f32
      %swap3A_110 = arith.constant 0 : index
      %swap3A_111 = arith.constant 0 : index
      %swap3A_112 = memref.load %arg8[%swap3A_110, %swap3A_111] : memref<1x1xf32, #tpu.memory_space<smem>>
      memref.store %swap3A_109, %arg8[%swap3A_110, %swap3A_111] : memref<1x1xf32, #tpu.memory_space<smem>>
    } else {
    }
    %get3A_98 = arith.constant 0 : index
    %get3A_99 = arith.constant 0 : index
    %get3A_100 = memref.load %arg8[%get3A_98, %get3A_99] : memref<1x1xf32, #tpu.memory_space<smem>>
    %add3A_101 = arith.addf %get3A_100, %add3A_95 : f32
    %swap3A = arith.constant 0 : index
    %swap3A_102 = arith.constant 0 : index
    %swap3A_103 = memref.load %arg8[%swap3A, %swap3A_102] : memref<1x1xf32, #tpu.memory_space<smem>>
    memref.store %add3A_101, %arg8[%swap3A, %swap3A_102] : memref<1x1xf32, #tpu.memory_space<smem>>
    %eq3A_104 = arith.constant 7 : i32
    %eq3A_105 = arith.cmpi eq, %arg0, %eq3A_104 : i32
    %convert_element_type3A_106 = arith.extui %eq3A_105 : i1 to i32
    %cond3A_107 = arith.constant 0 : i32
    %cond3A_108 = arith.cmpi ne, %convert_element_type3A_106, %cond3A_107 : i32
    scf.if %cond3A_108 {
      %dma_wait3A = arith.constant 0 : i32
      %dma_wait3A_109 = arith.constant 0 : i32
      %dma_wait3A_110 = arith.constant 0 : i32
      %dma_wait3A_111 = tpu.memref_slice %arg3[%dma_wait3A, %dma_wait3A_109, %dma_wait3A_110] : memref<4096x8x255xf32, #tpu.memory_space<any>> -> memref<224x8x255xf32, #tpu.memory_space<any>>
      tpu.wait_dma2 semaphore(%arg9 : memref<!tpu.dma_semaphore, #tpu.memory_space<semaphore_mem>>) src(%dma_wait3A_111 : memref<224x8x255xf32, #tpu.memory_space<any>>) dst(%arg7 : memref<224x8x255xf32, #tpu.memory_space<vmem>>)
      %get3A_112 = arith.constant 0 : index
      %get3A_113 = arith.constant 2 : index
      %get3A_114 = vector.load %arg5[%get3A_112, %get3A_113] : memref<224x8xf32, #tpu.memory_space<vmem>>, vector<224x1xf32>
      %get3A_115 = arith.constant 0 : index
      %get3A_116 = arith.constant 3 : index
      %get3A_117 = vector.load %arg5[%get3A_115, %get3A_116] : memref<224x8xf32, #tpu.memory_space<vmem>>, vector<224x1xf32>
      %get3A_118 = arith.constant 0 : index
      %get3A_119 = arith.constant 0 : index
      %get3A_120 = vector.load %arg5[%get3A_118, %get3A_119] : memref<224x8xf32, #tpu.memory_space<vmem>>, vector<224x1xf32>
      %convert_element_type3A_121 = arith.fptosi %get3A_120 : vector<224x1xf32> to vector<224x1xi32>
      %mul3A = arith.constant 6.400000e+01 : f32
      %mul3A_122 = vector.broadcast %mul3A : f32 to vector<224x1xf32>
      %mul3A_123 = arith.mulf %get3A_114, %mul3A_122 : vector<224x1xf32>
      %convert_element_type3A_124 = arith.fptosi %mul3A_123 : vector<224x1xf32> to vector<224x1xi32>
      %mul3A_125 = arith.constant 6.400000e+01 : f32
      %mul3A_126 = vector.broadcast %mul3A_125 : f32 to vector<224x1xf32>
      %mul3A_127 = arith.mulf %get3A_117, %mul3A_126 : vector<224x1xf32>
      %convert_element_type3A_128 = arith.fptosi %mul3A_127 : vector<224x1xf32> to vector<224x1xi32>
      %mul3A_129 = arith.constant 64 : i32
      %mul3A_130 = vector.broadcast %mul3A_129 : i32 to vector<224x1xi32>
      %mul3A_131 = arith.muli %convert_element_type3A_121, %mul3A_130 : vector<224x1xi32>
      %add3A_132 = arith.addi %mul3A_131, %convert_element_type3A_128 : vector<224x1xi32>
      %mul3A_133 = arith.constant 64 : i32
      %mul3A_134 = vector.broadcast %mul3A_133 : i32 to vector<224x1xi32>
      %mul3A_135 = arith.muli %add3A_132, %mul3A_134 : vector<224x1xi32>
      %add3A_136 = arith.addi %mul3A_135, %convert_element_type3A_124 : vector<224x1xi32>
      %jit3A_137 = arith.constant 8 : i32
      %div3A_138 = vector.broadcast %jit3A_137 : i32 to vector<224x1xi32>
      %div3A_139 = arith.divsi %add3A_136, %div3A_138 : vector<224x1xi32>
      %sign3A = arith.constant 0 : i32
      %sign3A_140 = vector.broadcast %sign3A : i32 to vector<224x1xi32>
      %sign3A_141 = arith.cmpi sgt, %add3A_136, %sign3A_140 : vector<224x1xi32>
      %sign3A_142 = arith.extui %sign3A_141 : vector<224x1xi1> to vector<224x1xi32>
      %sign3A_143 = arith.constant 0 : i32
      %sign3A_144 = vector.broadcast %sign3A_143 : i32 to vector<224x1xi32>
      %sign3A_145 = arith.cmpi slt, %add3A_136, %sign3A_144 : vector<224x1xi32>
      %sign3A_146 = arith.extui %sign3A_145 : vector<224x1xi1> to vector<224x1xi32>
      %sign3A_147 = arith.subi %sign3A_142, %sign3A_146 : vector<224x1xi32>
      %sign3A_148 = arith.constant 0 : i32
      %sign3A_149 = arith.cmpi sgt, %jit3A_137, %sign3A_148 : i32
      %sign3A_150 = arith.extui %sign3A_149 : i1 to i32
      %sign3A_151 = arith.constant 0 : i32
      %sign3A_152 = arith.cmpi slt, %jit3A_137, %sign3A_151 : i32
      %sign3A_153 = arith.extui %sign3A_152 : i1 to i32
      %sign3A_154 = arith.subi %sign3A_150, %sign3A_153 : i32
      %ne3A = vector.broadcast %sign3A_154 : i32 to vector<224x1xi32>
      %ne3A_155 = arith.cmpi ne, %sign3A_147, %ne3A : vector<224x1xi32>
      %rem3A = vector.broadcast %jit3A_137 : i32 to vector<224x1xi32>
      %rem3A_156 = arith.remsi %add3A_136, %rem3A : vector<224x1xi32>
      %ne3A_157 = arith.constant 0 : i32
      %ne3A_158 = vector.broadcast %ne3A_157 : i32 to vector<224x1xi32>
      %ne3A_159 = arith.cmpi ne, %rem3A_156, %ne3A_158 : vector<224x1xi32>
      %and3A = arith.andi %ne3A_155, %ne3A_159 : vector<224x1xi1>
      %sub3A_160 = arith.constant 1 : i32
      %sub3A_161 = vector.broadcast %sub3A_160 : i32 to vector<224x1xi32>
      %sub3A_162 = arith.subi %div3A_139, %sub3A_161 : vector<224x1xi32>
      %select_n3A = arith.select %and3A, %sub3A_162, %div3A_139 : vector<224x1xi1>, vector<224x1xi32>
      %mul3A_163 = arith.constant 8 : i32
      %mul3A_164 = vector.broadcast %mul3A_163 : i32 to vector<224x1xi32>
      %mul3A_165 = arith.muli %select_n3A, %mul3A_164 : vector<224x1xi32>
      %sub3A_166 = arith.subi %add3A_136, %mul3A_165 : vector<224x1xi32>
      %broadcast_in_dim3A = arith.constant 0.000000e+00 : f32
      %broadcast_in_dim3A_167 = vector.broadcast %broadcast_in_dim3A : f32 to vector<224x255xf32>
      %eq3A_168 = arith.constant 0 : i32
      %eq3A_169 = vector.broadcast %eq3A_168 : i32 to vector<224x1xi32>
      %eq3A_170 = arith.cmpi eq, %sub3A_166, %eq3A_169 : vector<224x1xi32>
      %convert_element_type3A_171 = arith.extui %eq3A_170 : vector<224x1xi1> to vector<224x1xi32>
      %convert_element_type3A_172 = arith.sitofp %convert_element_type3A_171 : vector<224x1xi32> to vector<224x1xf32>
      %get3A_173 = arith.constant 0 : index
      %get3A_174 = arith.constant 0 : index
      %get3A_175 = arith.constant 0 : index
      %get3A_176 = vector.load %arg7[%get3A_173, %get3A_174, %get3A_175] : memref<224x8x255xf32, #tpu.memory_space<vmem>>, vector<224x1x255xf32>
      %get3A_177 = vector.shape_cast %get3A_176 : vector<224x1x255xf32> to vector<224x255xf32>
      %mul3A_178 = vector.broadcast %convert_element_type3A_172 : vector<224x1xf32> to vector<224x255xf32>
      %mul3A_179 = arith.mulf %get3A_177, %mul3A_178 : vector<224x255xf32>
      %add3A_180 = arith.addf %broadcast_in_dim3A_167, %mul3A_179 : vector<224x255xf32>
      %eq3A_181 = arith.constant 1 : i32
      %eq3A_182 = vector.broadcast %eq3A_181 : i32 to vector<224x1xi32>
      %eq3A_183 = arith.cmpi eq, %sub3A_166, %eq3A_182 : vector<224x1xi32>
      %convert_element_type3A_184 = arith.extui %eq3A_183 : vector<224x1xi1> to vector<224x1xi32>
      %convert_element_type3A_185 = arith.sitofp %convert_element_type3A_184 : vector<224x1xi32> to vector<224x1xf32>
      %get3A_186 = arith.constant 0 : index
      %get3A_187 = arith.constant 1 : index
      %get3A_188 = arith.constant 0 : index
      %get3A_189 = vector.load %arg7[%get3A_186, %get3A_187, %get3A_188] : memref<224x8x255xf32, #tpu.memory_space<vmem>>, vector<224x1x255xf32>
      %get3A_190 = vector.shape_cast %get3A_189 : vector<224x1x255xf32> to vector<224x255xf32>
      %mul3A_191 = vector.broadcast %convert_element_type3A_185 : vector<224x1xf32> to vector<224x255xf32>
      %mul3A_192 = arith.mulf %get3A_190, %mul3A_191 : vector<224x255xf32>
      %add3A_193 = arith.addf %add3A_180, %mul3A_192 : vector<224x255xf32>
      %eq3A_194 = arith.constant 2 : i32
      %eq3A_195 = vector.broadcast %eq3A_194 : i32 to vector<224x1xi32>
      %eq3A_196 = arith.cmpi eq, %sub3A_166, %eq3A_195 : vector<224x1xi32>
      %convert_element_type3A_197 = arith.extui %eq3A_196 : vector<224x1xi1> to vector<224x1xi32>
      %convert_element_type3A_198 = arith.sitofp %convert_element_type3A_197 : vector<224x1xi32> to vector<224x1xf32>
      %get3A_199 = arith.constant 0 : index
      %get3A_200 = arith.constant 2 : index
      %get3A_201 = arith.constant 0 : index
      %get3A_202 = vector.load %arg7[%get3A_199, %get3A_200, %get3A_201] : memref<224x8x255xf32, #tpu.memory_space<vmem>>, vector<224x1x255xf32>
      %get3A_203 = vector.shape_cast %get3A_202 : vector<224x1x255xf32> to vector<224x255xf32>
      %mul3A_204 = vector.broadcast %convert_element_type3A_198 : vector<224x1xf32> to vector<224x255xf32>
      %mul3A_205 = arith.mulf %get3A_203, %mul3A_204 : vector<224x255xf32>
      %add3A_206 = arith.addf %add3A_193, %mul3A_205 : vector<224x255xf32>
      %eq3A_207 = arith.constant 3 : i32
      %eq3A_208 = vector.broadcast %eq3A_207 : i32 to vector<224x1xi32>
      %eq3A_209 = arith.cmpi eq, %sub3A_166, %eq3A_208 : vector<224x1xi32>
      %convert_element_type3A_210 = arith.extui %eq3A_209 : vector<224x1xi1> to vector<224x1xi32>
      %convert_element_type3A_211 = arith.sitofp %convert_element_type3A_210 : vector<224x1xi32> to vector<224x1xf32>
      %get3A_212 = arith.constant 0 : index
      %get3A_213 = arith.constant 3 : index
      %get3A_214 = arith.constant 0 : index
      %get3A_215 = vector.load %arg7[%get3A_212, %get3A_213, %get3A_214] : memref<224x8x255xf32, #tpu.memory_space<vmem>>, vector<224x1x255xf32>
      %get3A_216 = vector.shape_cast %get3A_215 : vector<224x1x255xf32> to vector<224x255xf32>
      %mul3A_217 = vector.broadcast %convert_element_type3A_211 : vector<224x1xf32> to vector<224x255xf32>
      %mul3A_218 = arith.mulf %get3A_216, %mul3A_217 : vector<224x255xf32>
      %add3A_219 = arith.addf %add3A_206, %mul3A_218 : vector<224x255xf32>
      %eq3A_220 = arith.constant 4 : i32
      %eq3A_221 = vector.broadcast %eq3A_220 : i32 to vector<224x1xi32>
      %eq3A_222 = arith.cmpi eq, %sub3A_166, %eq3A_221 : vector<224x1xi32>
      %convert_element_type3A_223 = arith.extui %eq3A_222 : vector<224x1xi1> to vector<224x1xi32>
      %convert_element_type3A_224 = arith.sitofp %convert_element_type3A_223 : vector<224x1xi32> to vector<224x1xf32>
      %get3A_225 = arith.constant 0 : index
      %get3A_226 = arith.constant 4 : index
      %get3A_227 = arith.constant 0 : index
      %get3A_228 = vector.load %arg7[%get3A_225, %get3A_226, %get3A_227] : memref<224x8x255xf32, #tpu.memory_space<vmem>>, vector<224x1x255xf32>
      %get3A_229 = vector.shape_cast %get3A_228 : vector<224x1x255xf32> to vector<224x255xf32>
      %mul3A_230 = vector.broadcast %convert_element_type3A_224 : vector<224x1xf32> to vector<224x255xf32>
      %mul3A_231 = arith.mulf %get3A_229, %mul3A_230 : vector<224x255xf32>
      %add3A_232 = arith.addf %add3A_219, %mul3A_231 : vector<224x255xf32>
      %eq3A_233 = arith.constant 5 : i32
      %eq3A_234 = vector.broadcast %eq3A_233 : i32 to vector<224x1xi32>
      %eq3A_235 = arith.cmpi eq, %sub3A_166, %eq3A_234 : vector<224x1xi32>
      %convert_element_type3A_236 = arith.extui %eq3A_235 : vector<224x1xi1> to vector<224x1xi32>
      %convert_element_type3A_237 = arith.sitofp %convert_element_type3A_236 : vector<224x1xi32> to vector<224x1xf32>
      %get3A_238 = arith.constant 0 : index
      %get3A_239 = arith.constant 5 : index
      %get3A_240 = arith.constant 0 : index
      %get3A_241 = vector.load %arg7[%get3A_238, %get3A_239, %get3A_240] : memref<224x8x255xf32, #tpu.memory_space<vmem>>, vector<224x1x255xf32>
      %get3A_242 = vector.shape_cast %get3A_241 : vector<224x1x255xf32> to vector<224x255xf32>
      %mul3A_243 = vector.broadcast %convert_element_type3A_237 : vector<224x1xf32> to vector<224x255xf32>
      %mul3A_244 = arith.mulf %get3A_242, %mul3A_243 : vector<224x255xf32>
      %add3A_245 = arith.addf %add3A_232, %mul3A_244 : vector<224x255xf32>
      %eq3A_246 = arith.constant 6 : i32
      %eq3A_247 = vector.broadcast %eq3A_246 : i32 to vector<224x1xi32>
      %eq3A_248 = arith.cmpi eq, %sub3A_166, %eq3A_247 : vector<224x1xi32>
      %convert_element_type3A_249 = arith.extui %eq3A_248 : vector<224x1xi1> to vector<224x1xi32>
      %convert_element_type3A_250 = arith.sitofp %convert_element_type3A_249 : vector<224x1xi32> to vector<224x1xf32>
      %get3A_251 = arith.constant 0 : index
      %get3A_252 = arith.constant 6 : index
      %get3A_253 = arith.constant 0 : index
      %get3A_254 = vector.load %arg7[%get3A_251, %get3A_252, %get3A_253] : memref<224x8x255xf32, #tpu.memory_space<vmem>>, vector<224x1x255xf32>
      %get3A_255 = vector.shape_cast %get3A_254 : vector<224x1x255xf32> to vector<224x255xf32>
      %mul3A_256 = vector.broadcast %convert_element_type3A_250 : vector<224x1xf32> to vector<224x255xf32>
      %mul3A_257 = arith.mulf %get3A_255, %mul3A_256 : vector<224x255xf32>
      %add3A_258 = arith.addf %add3A_245, %mul3A_257 : vector<224x255xf32>
      %eq3A_259 = arith.constant 7 : i32
      %eq3A_260 = vector.broadcast %eq3A_259 : i32 to vector<224x1xi32>
      %eq3A_261 = arith.cmpi eq, %sub3A_166, %eq3A_260 : vector<224x1xi32>
      %convert_element_type3A_262 = arith.extui %eq3A_261 : vector<224x1xi1> to vector<224x1xi32>
      %convert_element_type3A_263 = arith.sitofp %convert_element_type3A_262 : vector<224x1xi32> to vector<224x1xf32>
      %get3A_264 = arith.constant 0 : index
      %get3A_265 = arith.constant 7 : index
      %get3A_266 = arith.constant 0 : index
      %get3A_267 = vector.load %arg7[%get3A_264, %get3A_265, %get3A_266] : memref<224x8x255xf32, #tpu.memory_space<vmem>>, vector<224x1x255xf32>
      %get3A_268 = vector.shape_cast %get3A_267 : vector<224x1x255xf32> to vector<224x255xf32>
      %mul3A_269 = vector.broadcast %convert_element_type3A_263 : vector<224x1xf32> to vector<224x255xf32>
      %mul3A_270 = arith.mulf %get3A_268, %mul3A_269 : vector<224x255xf32>
      %add3A_271 = arith.addf %add3A_258, %mul3A_270 : vector<224x255xf32>
      %get3A_272 = arith.constant 0 : index
      %get3A_273 = arith.constant 0 : index
      %get3A_274 = memref.load %arg8[%get3A_272, %get3A_273] : memref<1x1xf32, #tpu.memory_space<smem>>
      %get3A_275 = arith.constant 0 : index
      %get3A_276 = arith.constant 0 : index
      %get3A_277 = vector.load %arg4[%get3A_275, %get3A_276] : memref<8x224xf32, #tpu.memory_space<vmem>>, vector<8x224xf32>
      %get3A_278 = arith.constant 0 : index
      %get3A_279 = arith.constant 0 : index
      %get3A_280 = vector.load %arg5[%get3A_278, %get3A_279] : memref<224x8xf32, #tpu.memory_space<vmem>>, vector<224x8xf32>
      %slice3A = vector.extract_strided_slice %get3A_280 {offsets = [0, 0], sizes = [224, 1], strides = [1, 1]} : vector<224x8xf32> to vector<224x1xf32>
      %slice3A_281 = vector.extract_strided_slice %get3A_280 {offsets = [0, 1], sizes = [224, 1], strides = [1, 1]} : vector<224x8xf32> to vector<224x1xf32>
      %slice3A_282 = vector.extract_strided_slice %get3A_280 {offsets = [0, 2], sizes = [224, 1], strides = [1, 1]} : vector<224x8xf32> to vector<224x1xf32>
      %slice3A_283 = vector.extract_strided_slice %get3A_280 {offsets = [0, 3], sizes = [224, 1], strides = [1, 1]} : vector<224x8xf32> to vector<224x1xf32>
      %slice3A_284 = vector.extract_strided_slice %get3A_280 {offsets = [0, 4], sizes = [224, 1], strides = [1, 1]} : vector<224x8xf32> to vector<224x1xf32>
      %slice3A_285 = vector.extract_strided_slice %get3A_280 {offsets = [0, 5], sizes = [224, 1], strides = [1, 1]} : vector<224x8xf32> to vector<224x1xf32>
      %slice3A_286 = vector.extract_strided_slice %get3A_277 {offsets = [0, 0], sizes = [1, 224], strides = [1, 1]} : vector<8x224xf32> to vector<1x224xf32>
      %slice3A_287 = vector.extract_strided_slice %get3A_277 {offsets = [1, 0], sizes = [1, 224], strides = [1, 1]} : vector<8x224xf32> to vector<1x224xf32>
      %slice3A_288 = vector.extract_strided_slice %get3A_277 {offsets = [2, 0], sizes = [1, 224], strides = [1, 1]} : vector<8x224xf32> to vector<1x224xf32>
      %slice3A_289 = vector.extract_strided_slice %get3A_277 {offsets = [3, 0], sizes = [1, 224], strides = [1, 1]} : vector<8x224xf32> to vector<1x224xf32>
      %slice3A_290 = vector.extract_strided_slice %get3A_277 {offsets = [4, 0], sizes = [1, 224], strides = [1, 1]} : vector<8x224xf32> to vector<1x224xf32>
      %slice3A_291 = vector.extract_strided_slice %get3A_277 {offsets = [5, 0], sizes = [1, 224], strides = [1, 1]} : vector<8x224xf32> to vector<1x224xf32>
      %min3A_292 = arith.constant 5.000000e-02 : f32
      %min3A_293 = vector.broadcast %min3A_292 : f32 to vector<224x1xf32>
      %min3A_294 = arith.minimumf %slice3A_284, %min3A_293 : vector<224x1xf32>
      %min3A_295 = arith.constant 8.000000e-02 : f32
      %min3A_296 = vector.broadcast %min3A_295 : f32 to vector<224x1xf32>
      %min3A_297 = arith.minimumf %slice3A_285, %min3A_296 : vector<224x1xf32>
      %mul3A_298 = arith.mulf %min3A_294, %min3A_297 : vector<224x1xf32>
      %mul3A_299 = arith.mulf %slice3A_284, %slice3A_285 : vector<224x1xf32>
      %add3A_300 = arith.constant 4.000000e-03 : f32
      %add3A_301 = vector.broadcast %add3A_300 : f32 to vector<224x1xf32>
      %add3A_302 = arith.addf %mul3A_299, %add3A_301 : vector<224x1xf32>
      %sub3A_303 = arith.subf %add3A_302, %mul3A_298 : vector<224x1xf32>
      %add3A_304 = arith.constant 1.000000e-16 : f32
      %add3A_305 = vector.broadcast %add3A_304 : f32 to vector<224x1xf32>
      %add3A_306 = arith.addf %sub3A_303, %add3A_305 : vector<224x1xf32>
      %div3A_307 = arith.divf %mul3A_298, %add3A_306 : vector<224x1xf32>
      %min3A_308 = arith.constant 1.000000e-01 : f32
      %min3A_309 = vector.broadcast %min3A_308 : f32 to vector<224x1xf32>
      %min3A_310 = arith.minimumf %slice3A_284, %min3A_309 : vector<224x1xf32>
      %min3A_311 = arith.constant 1.500000e-01 : f32
      %min3A_312 = vector.broadcast %min3A_311 : f32 to vector<224x1xf32>
      %min3A_313 = arith.minimumf %slice3A_285, %min3A_312 : vector<224x1xf32>
      %mul3A_314 = arith.mulf %min3A_310, %min3A_313 : vector<224x1xf32>
      %mul3A_315 = arith.mulf %slice3A_284, %slice3A_285 : vector<224x1xf32>
      %add3A_316 = arith.constant 1.500000e-02 : f32
      %add3A_317 = vector.broadcast %add3A_316 : f32 to vector<224x1xf32>
      %add3A_318 = arith.addf %mul3A_315, %add3A_317 : vector<224x1xf32>
      %sub3A_319 = arith.subf %add3A_318, %mul3A_314 : vector<224x1xf32>
      %add3A_320 = arith.constant 1.000000e-16 : f32
      %add3A_321 = vector.broadcast %add3A_320 : f32 to vector<224x1xf32>
      %add3A_322 = arith.addf %sub3A_319, %add3A_321 : vector<224x1xf32>
      %div3A_323 = arith.divf %mul3A_314, %add3A_322 : vector<224x1xf32>
      %min3A_324 = arith.constant 2.000000e-01 : f32
      %min3A_325 = vector.broadcast %min3A_324 : f32 to vector<224x1xf32>
      %min3A_326 = arith.minimumf %slice3A_284, %min3A_325 : vector<224x1xf32>
      %min3A_327 = arith.constant 3.000000e-01 : f32
      %min3A_328 = vector.broadcast %min3A_327 : f32 to vector<224x1xf32>
      %min3A_329 = arith.minimumf %slice3A_285, %min3A_328 : vector<224x1xf32>
      %mul3A_330 = arith.mulf %min3A_326, %min3A_329 : vector<224x1xf32>
      %mul3A_331 = arith.mulf %slice3A_284, %slice3A_285 : vector<224x1xf32>
      %add3A_332 = arith.constant 6.000000e-02 : f32
      %add3A_333 = vector.broadcast %add3A_332 : f32 to vector<224x1xf32>
      %add3A_334 = arith.addf %mul3A_331, %add3A_333 : vector<224x1xf32>
      %sub3A_335 = arith.subf %add3A_334, %mul3A_330 : vector<224x1xf32>
      %add3A_336 = arith.constant 1.000000e-16 : f32
      %add3A_337 = vector.broadcast %add3A_336 : f32 to vector<224x1xf32>
      %add3A_338 = arith.addf %sub3A_335, %add3A_337 : vector<224x1xf32>
      %div3A_339 = arith.divf %mul3A_330, %add3A_338 : vector<224x1xf32>
      %gt3A = arith.cmpf ogt, %div3A_323, %div3A_307 : vector<224x1xf32>
      %jit3A_340 = arith.constant 1 : i32
      %jit3A_341 = arith.constant 0 : i32
      %broadcast_in_dim3A_342 = vector.broadcast %jit3A_340 : i32 to vector<224x1xi32>
      %broadcast_in_dim3A_343 = vector.broadcast %jit3A_341 : i32 to vector<224x1xi32>
      %select_n3A_344 = arith.select %gt3A, %broadcast_in_dim3A_342, %broadcast_in_dim3A_343 : vector<224x1xi1>, vector<224x1xi32>
      %max3A_345 = arith.maximumf %div3A_307, %div3A_323 : vector<224x1xf32>
      %gt3A_346 = arith.cmpf ogt, %div3A_339, %max3A_345 : vector<224x1xf32>
      %jit3A_347 = arith.constant 2 : i32
      %broadcast_in_dim3A_348 = vector.broadcast %jit3A_347 : i32 to vector<224x1xi32>
      %select_n3A_349 = arith.select %gt3A_346, %broadcast_in_dim3A_348, %select_n3A_344 : vector<224x1xi1>, vector<224x1xi32>
      %convert_element_type3A_350 = arith.fptosi %slice3A : vector<224x1xf32> to vector<224x1xi32>
      %mul3A_351 = arith.constant 6.400000e+01 : f32
      %mul3A_352 = vector.broadcast %mul3A_351 : f32 to vector<224x1xf32>
      %mul3A_353 = arith.mulf %slice3A_282, %mul3A_352 : vector<224x1xf32>
      %convert_element_type3A_354 = arith.fptosi %mul3A_353 : vector<224x1xf32> to vector<224x1xi32>
      %mul3A_355 = arith.constant 6.400000e+01 : f32
      %mul3A_356 = vector.broadcast %mul3A_355 : f32 to vector<224x1xf32>
      %mul3A_357 = arith.mulf %slice3A_283, %mul3A_356 : vector<224x1xf32>
      %convert_element_type3A_358 = arith.fptosi %mul3A_357 : vector<224x1xf32> to vector<224x1xi32>
      %mul3A_359 = arith.constant 3 : i32
      %mul3A_360 = vector.broadcast %mul3A_359 : i32 to vector<224x1xi32>
      %mul3A_361 = arith.muli %convert_element_type3A_350, %mul3A_360 : vector<224x1xi32>
      %add3A_362 = arith.addi %mul3A_361, %select_n3A_349 : vector<224x1xi32>
      %mul3A_363 = arith.constant 64 : i32
      %mul3A_364 = vector.broadcast %mul3A_363 : i32 to vector<224x1xi32>
      %mul3A_365 = arith.muli %add3A_362, %mul3A_364 : vector<224x1xi32>
      %add3A_366 = arith.addi %mul3A_365, %convert_element_type3A_358 : vector<224x1xi32>
      %mul3A_367 = arith.constant 64 : i32
      %mul3A_368 = vector.broadcast %mul3A_367 : i32 to vector<224x1xi32>
      %mul3A_369 = arith.muli %add3A_366, %mul3A_368 : vector<224x1xi32>
      %add3A_370 = arith.addi %mul3A_369, %convert_element_type3A_354 : vector<224x1xi32>
      %mul3A_371 = arith.constant 3 : i32
      %mul3A_372 = vector.broadcast %mul3A_371 : i32 to vector<224x1xi32>
      %mul3A_373 = arith.muli %convert_element_type3A_350, %mul3A_372 : vector<224x1xi32>
      %add3A_374 = arith.constant 0 : i32
      %add3A_375 = vector.broadcast %add3A_374 : i32 to vector<224x1xi32>
      %add3A_376 = arith.addi %mul3A_373, %add3A_375 : vector<224x1xi32>
      %mul3A_377 = arith.constant 64 : i32
      %mul3A_378 = vector.broadcast %mul3A_377 : i32 to vector<224x1xi32>
      %mul3A_379 = arith.muli %add3A_376, %mul3A_378 : vector<224x1xi32>
      %add3A_380 = arith.addi %mul3A_379, %convert_element_type3A_358 : vector<224x1xi32>
      %mul3A_381 = arith.constant 64 : i32
      %mul3A_382 = vector.broadcast %mul3A_381 : i32 to vector<224x1xi32>
      %mul3A_383 = arith.muli %add3A_380, %mul3A_382 : vector<224x1xi32>
      %add3A_384 = arith.addi %mul3A_383, %convert_element_type3A_354 : vector<224x1xi32>
      %mul3A_385 = arith.constant 3 : i32
      %mul3A_386 = vector.broadcast %mul3A_385 : i32 to vector<224x1xi32>
      %mul3A_387 = arith.muli %convert_element_type3A_350, %mul3A_386 : vector<224x1xi32>
      %add3A_388 = arith.constant 1 : i32
      %add3A_389 = vector.broadcast %add3A_388 : i32 to vector<224x1xi32>
      %add3A_390 = arith.addi %mul3A_387, %add3A_389 : vector<224x1xi32>
      %mul3A_391 = arith.constant 64 : i32
      %mul3A_392 = vector.broadcast %mul3A_391 : i32 to vector<224x1xi32>
      %mul3A_393 = arith.muli %add3A_390, %mul3A_392 : vector<224x1xi32>
      %add3A_394 = arith.addi %mul3A_393, %convert_element_type3A_358 : vector<224x1xi32>
      %mul3A_395 = arith.constant 64 : i32
      %mul3A_396 = vector.broadcast %mul3A_395 : i32 to vector<224x1xi32>
      %mul3A_397 = arith.muli %add3A_394, %mul3A_396 : vector<224x1xi32>
      %add3A_398 = arith.addi %mul3A_397, %convert_element_type3A_354 : vector<224x1xi32>
      %mul3A_399 = arith.constant 3 : i32
      %mul3A_400 = vector.broadcast %mul3A_399 : i32 to vector<224x1xi32>
      %mul3A_401 = arith.muli %convert_element_type3A_350, %mul3A_400 : vector<224x1xi32>
      %add3A_402 = arith.constant 2 : i32
      %add3A_403 = vector.broadcast %add3A_402 : i32 to vector<224x1xi32>
      %add3A_404 = arith.addi %mul3A_401, %add3A_403 : vector<224x1xi32>
      %mul3A_405 = arith.constant 64 : i32
      %mul3A_406 = vector.broadcast %mul3A_405 : i32 to vector<224x1xi32>
      %mul3A_407 = arith.muli %add3A_404, %mul3A_406 : vector<224x1xi32>
      %add3A_408 = arith.addi %mul3A_407, %convert_element_type3A_358 : vector<224x1xi32>
      %mul3A_409 = arith.constant 64 : i32
      %mul3A_410 = vector.broadcast %mul3A_409 : i32 to vector<224x1xi32>
      %mul3A_411 = arith.muli %add3A_408, %mul3A_410 : vector<224x1xi32>
      %add3A_412 = arith.addi %mul3A_411, %convert_element_type3A_354 : vector<224x1xi32>
      %convert_element_type3A_413 = arith.fptosi %slice3A_281 : vector<224x1xf32> to vector<224x1xi32>
      %min3A_414 = arith.constant 5.000000e-02 : f32
      %min3A_415 = vector.broadcast %min3A_414 : f32 to vector<1x224xf32>
      %min3A_416 = arith.minimumf %slice3A_290, %min3A_415 : vector<1x224xf32>
      %min3A_417 = arith.constant 8.000000e-02 : f32
      %min3A_418 = vector.broadcast %min3A_417 : f32 to vector<1x224xf32>
      %min3A_419 = arith.minimumf %slice3A_291, %min3A_418 : vector<1x224xf32>
      %mul3A_420 = arith.mulf %min3A_416, %min3A_419 : vector<1x224xf32>
      %mul3A_421 = arith.mulf %slice3A_290, %slice3A_291 : vector<1x224xf32>
      %add3A_422 = arith.constant 4.000000e-03 : f32
      %add3A_423 = vector.broadcast %add3A_422 : f32 to vector<1x224xf32>
      %add3A_424 = arith.addf %mul3A_421, %add3A_423 : vector<1x224xf32>
      %sub3A_425 = arith.subf %add3A_424, %mul3A_420 : vector<1x224xf32>
      %add3A_426 = arith.constant 1.000000e-16 : f32
      %add3A_427 = vector.broadcast %add3A_426 : f32 to vector<1x224xf32>
      %add3A_428 = arith.addf %sub3A_425, %add3A_427 : vector<1x224xf32>
      %div3A_429 = arith.divf %mul3A_420, %add3A_428 : vector<1x224xf32>
      %min3A_430 = arith.constant 1.000000e-01 : f32
      %min3A_431 = vector.broadcast %min3A_430 : f32 to vector<1x224xf32>
      %min3A_432 = arith.minimumf %slice3A_290, %min3A_431 : vector<1x224xf32>
      %min3A_433 = arith.constant 1.500000e-01 : f32
      %min3A_434 = vector.broadcast %min3A_433 : f32 to vector<1x224xf32>
      %min3A_435 = arith.minimumf %slice3A_291, %min3A_434 : vector<1x224xf32>
      %mul3A_436 = arith.mulf %min3A_432, %min3A_435 : vector<1x224xf32>
      %mul3A_437 = arith.mulf %slice3A_290, %slice3A_291 : vector<1x224xf32>
      %add3A_438 = arith.constant 1.500000e-02 : f32
      %add3A_439 = vector.broadcast %add3A_438 : f32 to vector<1x224xf32>
      %add3A_440 = arith.addf %mul3A_437, %add3A_439 : vector<1x224xf32>
      %sub3A_441 = arith.subf %add3A_440, %mul3A_436 : vector<1x224xf32>
      %add3A_442 = arith.constant 1.000000e-16 : f32
      %add3A_443 = vector.broadcast %add3A_442 : f32 to vector<1x224xf32>
      %add3A_444 = arith.addf %sub3A_441, %add3A_443 : vector<1x224xf32>
      %div3A_445 = arith.divf %mul3A_436, %add3A_444 : vector<1x224xf32>
      %min3A_446 = arith.constant 2.000000e-01 : f32
      %min3A_447 = vector.broadcast %min3A_446 : f32 to vector<1x224xf32>
      %min3A_448 = arith.minimumf %slice3A_290, %min3A_447 : vector<1x224xf32>
      %min3A_449 = arith.constant 3.000000e-01 : f32
      %min3A_450 = vector.broadcast %min3A_449 : f32 to vector<1x224xf32>
      %min3A_451 = arith.minimumf %slice3A_291, %min3A_450 : vector<1x224xf32>
      %mul3A_452 = arith.mulf %min3A_448, %min3A_451 : vector<1x224xf32>
      %mul3A_453 = arith.mulf %slice3A_290, %slice3A_291 : vector<1x224xf32>
      %add3A_454 = arith.constant 6.000000e-02 : f32
      %add3A_455 = vector.broadcast %add3A_454 : f32 to vector<1x224xf32>
      %add3A_456 = arith.addf %mul3A_453, %add3A_455 : vector<1x224xf32>
      %sub3A_457 = arith.subf %add3A_456, %mul3A_452 : vector<1x224xf32>
      %add3A_458 = arith.constant 1.000000e-16 : f32
      %add3A_459 = vector.broadcast %add3A_458 : f32 to vector<1x224xf32>
      %add3A_460 = arith.addf %sub3A_457, %add3A_459 : vector<1x224xf32>
      %div3A_461 = arith.divf %mul3A_452, %add3A_460 : vector<1x224xf32>
      %gt3A_462 = arith.cmpf ogt, %div3A_445, %div3A_429 : vector<1x224xf32>
      %jit3A_463 = arith.constant 1 : i32
      %jit3A_464 = arith.constant 0 : i32
      %broadcast_in_dim3A_465 = vector.broadcast %jit3A_463 : i32 to vector<1x224xi32>
      %broadcast_in_dim3A_466 = vector.broadcast %jit3A_464 : i32 to vector<1x224xi32>
      %select_n3A_467 = arith.select %gt3A_462, %broadcast_in_dim3A_465, %broadcast_in_dim3A_466 : vector<1x224xi1>, vector<1x224xi32>
      %max3A_468 = arith.maximumf %div3A_429, %div3A_445 : vector<1x224xf32>
      %gt3A_469 = arith.cmpf ogt, %div3A_461, %max3A_468 : vector<1x224xf32>
      %jit3A_470 = arith.constant 2 : i32
      %broadcast_in_dim3A_471 = vector.broadcast %jit3A_470 : i32 to vector<1x224xi32>
      %select_n3A_472 = arith.select %gt3A_469, %broadcast_in_dim3A_471, %select_n3A_467 : vector<1x224xi1>, vector<1x224xi32>
      %convert_element_type3A_473 = arith.fptosi %slice3A_286 : vector<1x224xf32> to vector<1x224xi32>
      %mul3A_474 = arith.constant 6.400000e+01 : f32
      %mul3A_475 = vector.broadcast %mul3A_474 : f32 to vector<1x224xf32>
      %mul3A_476 = arith.mulf %slice3A_288, %mul3A_475 : vector<1x224xf32>
      %convert_element_type3A_477 = arith.fptosi %mul3A_476 : vector<1x224xf32> to vector<1x224xi32>
      %mul3A_478 = arith.constant 6.400000e+01 : f32
      %mul3A_479 = vector.broadcast %mul3A_478 : f32 to vector<1x224xf32>
      %mul3A_480 = arith.mulf %slice3A_289, %mul3A_479 : vector<1x224xf32>
      %convert_element_type3A_481 = arith.fptosi %mul3A_480 : vector<1x224xf32> to vector<1x224xi32>
      %mul3A_482 = arith.constant 3 : i32
      %mul3A_483 = vector.broadcast %mul3A_482 : i32 to vector<1x224xi32>
      %mul3A_484 = arith.muli %convert_element_type3A_473, %mul3A_483 : vector<1x224xi32>
      %add3A_485 = arith.addi %mul3A_484, %select_n3A_472 : vector<1x224xi32>
      %mul3A_486 = arith.constant 64 : i32
      %mul3A_487 = vector.broadcast %mul3A_486 : i32 to vector<1x224xi32>
      %mul3A_488 = arith.muli %add3A_485, %mul3A_487 : vector<1x224xi32>
      %add3A_489 = arith.addi %mul3A_488, %convert_element_type3A_481 : vector<1x224xi32>
      %mul3A_490 = arith.constant 64 : i32
      %mul3A_491 = vector.broadcast %mul3A_490 : i32 to vector<1x224xi32>
      %mul3A_492 = arith.muli %add3A_489, %mul3A_491 : vector<1x224xi32>
      %add3A_493 = arith.addi %mul3A_492, %convert_element_type3A_477 : vector<1x224xi32>
      %mul3A_494 = arith.constant 3 : i32
      %mul3A_495 = vector.broadcast %mul3A_494 : i32 to vector<1x224xi32>
      %mul3A_496 = arith.muli %convert_element_type3A_473, %mul3A_495 : vector<1x224xi32>
      %add3A_497 = arith.constant 0 : i32
      %add3A_498 = vector.broadcast %add3A_497 : i32 to vector<1x224xi32>
      %add3A_499 = arith.addi %mul3A_496, %add3A_498 : vector<1x224xi32>
      %mul3A_500 = arith.constant 64 : i32
      %mul3A_501 = vector.broadcast %mul3A_500 : i32 to vector<1x224xi32>
      %mul3A_502 = arith.muli %add3A_499, %mul3A_501 : vector<1x224xi32>
      %add3A_503 = arith.addi %mul3A_502, %convert_element_type3A_481 : vector<1x224xi32>
      %mul3A_504 = arith.constant 64 : i32
      %mul3A_505 = vector.broadcast %mul3A_504 : i32 to vector<1x224xi32>
      %mul3A_506 = arith.muli %add3A_503, %mul3A_505 : vector<1x224xi32>
      %add3A_507 = arith.addi %mul3A_506, %convert_element_type3A_477 : vector<1x224xi32>
      %mul3A_508 = arith.constant 3 : i32
      %mul3A_509 = vector.broadcast %mul3A_508 : i32 to vector<1x224xi32>
      %mul3A_510 = arith.muli %convert_element_type3A_473, %mul3A_509 : vector<1x224xi32>
      %add3A_511 = arith.constant 1 : i32
      %add3A_512 = vector.broadcast %add3A_511 : i32 to vector<1x224xi32>
      %add3A_513 = arith.addi %mul3A_510, %add3A_512 : vector<1x224xi32>
      %mul3A_514 = arith.constant 64 : i32
      %mul3A_515 = vector.broadcast %mul3A_514 : i32 to vector<1x224xi32>
      %mul3A_516 = arith.muli %add3A_513, %mul3A_515 : vector<1x224xi32>
      %add3A_517 = arith.addi %mul3A_516, %convert_element_type3A_481 : vector<1x224xi32>
      %mul3A_518 = arith.constant 64 : i32
      %mul3A_519 = vector.broadcast %mul3A_518 : i32 to vector<1x224xi32>
      %mul3A_520 = arith.muli %add3A_517, %mul3A_519 : vector<1x224xi32>
      %add3A_521 = arith.addi %mul3A_520, %convert_element_type3A_477 : vector<1x224xi32>
      %mul3A_522 = arith.constant 3 : i32
      %mul3A_523 = vector.broadcast %mul3A_522 : i32 to vector<1x224xi32>
      %mul3A_524 = arith.muli %convert_element_type3A_473, %mul3A_523 : vector<1x224xi32>
      %add3A_525 = arith.constant 2 : i32
      %add3A_526 = vector.broadcast %add3A_525 : i32 to vector<1x224xi32>
      %add3A_527 = arith.addi %mul3A_524, %add3A_526 : vector<1x224xi32>
      %mul3A_528 = arith.constant 64 : i32
      %mul3A_529 = vector.broadcast %mul3A_528 : i32 to vector<1x224xi32>
      %mul3A_530 = arith.muli %add3A_527, %mul3A_529 : vector<1x224xi32>
      %add3A_531 = arith.addi %mul3A_530, %convert_element_type3A_481 : vector<1x224xi32>
      %mul3A_532 = arith.constant 64 : i32
      %mul3A_533 = vector.broadcast %mul3A_532 : i32 to vector<1x224xi32>
      %mul3A_534 = arith.muli %add3A_531, %mul3A_533 : vector<1x224xi32>
      %add3A_535 = arith.addi %mul3A_534, %convert_element_type3A_477 : vector<1x224xi32>
      %convert_element_type3A_536 = arith.fptosi %slice3A_287 : vector<1x224xf32> to vector<1x224xi32>
      %eq3A_537 = arith.constant 0 : i32
      %eq3A_538 = vector.broadcast %eq3A_537 : i32 to vector<224x1xi32>
      %eq3A_539 = arith.cmpi eq, %select_n3A_349, %eq3A_538 : vector<224x1xi32>
      %slice3A_540 = vector.extract_strided_slice %add3A_271 {offsets = [0, 0], sizes = [224, 85], strides = [1, 1]} : vector<224x255xf32> to vector<224x85xf32>
      %eq3A_541 = arith.constant 1 : i32
      %eq3A_542 = vector.broadcast %eq3A_541 : i32 to vector<224x1xi32>
      %eq3A_543 = arith.cmpi eq, %select_n3A_349, %eq3A_542 : vector<224x1xi32>
      %slice3A_544 = vector.extract_strided_slice %add3A_271 {offsets = [0, 85], sizes = [224, 85], strides = [1, 1]} : vector<224x255xf32> to vector<224x85xf32>
      %slice3A_545 = vector.extract_strided_slice %add3A_271 {offsets = [0, 170], sizes = [224, 85], strides = [1, 1]} : vector<224x255xf32> to vector<224x85xf32>
      %broadcast_in_dim3A_546 = vector.shape_cast %eq3A_543 : vector<224x1xi1> to vector<224x1xi1>
      %broadcast_in_dim3A_547 = vector.broadcast %broadcast_in_dim3A_546 : vector<224x1xi1> to vector<224x85xi1>
      %select_n3A_548 = arith.select %broadcast_in_dim3A_547, %slice3A_544, %slice3A_545 : vector<224x85xi1>, vector<224x85xf32>
      %broadcast_in_dim3A_549 = vector.shape_cast %eq3A_539 : vector<224x1xi1> to vector<224x1xi1>
      %broadcast_in_dim3A_550 = vector.broadcast %broadcast_in_dim3A_549 : vector<224x1xi1> to vector<224x85xi1>
      %select_n3A_551 = arith.select %broadcast_in_dim3A_550, %slice3A_540, %select_n3A_548 : vector<224x85xi1>, vector<224x85xf32>
      %iota3A = tpu.iota {dimensions = array<i32: 0>} : vector<224x1xi32>
      %iota3A_552 = tpu.iota {dimensions = array<i32: 1>} : vector<1x224xi32>
      %lt3A = arith.constant 200 : i32
      %lt3A_553 = vector.broadcast %lt3A : i32 to vector<224x1xi32>
      %lt3A_554 = arith.cmpi slt, %iota3A, %lt3A_553 : vector<224x1xi32>
      %lt3A_555 = arith.constant 200 : i32
      %lt3A_556 = vector.broadcast %lt3A_555 : i32 to vector<1x224xi32>
      %lt3A_557 = arith.cmpi slt, %iota3A_552, %lt3A_556 : vector<1x224xi32>
      %eq3A_558 = vector.broadcast %add3A_370 : vector<224x1xi32> to vector<224x224xi32>
      %eq3A_559 = vector.broadcast %add3A_493 : vector<1x224xi32> to vector<224x224xi32>
      %eq3A_560 = arith.cmpi eq, %eq3A_558, %eq3A_559 : vector<224x224xi32>
      %gt3A_561 = vector.broadcast %iota3A_552 : vector<1x224xi32> to vector<224x224xi32>
      %gt3A_562 = vector.broadcast %iota3A : vector<224x1xi32> to vector<224x224xi32>
      %gt3A_563 = arith.cmpi sgt, %gt3A_561, %gt3A_562 : vector<224x224xi32>
      %and3A_564 = arith.andi %eq3A_560, %gt3A_563 : vector<224x224xi1>
      %and3A_565 = vector.broadcast %lt3A_557 : vector<1x224xi1> to vector<224x224xi1>
      %and3A_566 = arith.andi %and3A_564, %and3A_565 : vector<224x224xi1>
      %reduce_or3A = arith.constant 1.000000e+00 : f32
      %reduce_or3A_567 = arith.constant 0.000000e+00 : f32
      %reduce_or3A_568 = vector.broadcast %reduce_or3A : f32 to vector<224x224xf32>
      %reduce_or3A_569 = vector.broadcast %reduce_or3A_567 : f32 to vector<224x224xf32>
      %reduce_or3A_570 = arith.select %and3A_566, %reduce_or3A_568, %reduce_or3A_569 : vector<224x224xi1>, vector<224x224xf32>
      %reduce_or3A_571 = arith.constant dense<0xFF800000> : vector<224xf32>
      %reduce_or3A_572 = vector.multi_reduction <maximumf>, %reduce_or3A_570, %reduce_or3A_571 [1] : vector<224x224xf32> to vector<224xf32>
      %reduce_or3A_573 = arith.constant 0.000000e+00 : f32
      %reduce_or3A_574 = vector.broadcast %reduce_or3A_573 : f32 to vector<224xf32>
      %reduce_or3A_575 = arith.cmpf ogt, %reduce_or3A_572, %reduce_or3A_574 : vector<224xf32>
      %broadcast_in_dim3A_576 = vector.shape_cast %reduce_or3A_575 : vector<224xi1> to vector<224x1xi1>
      %not3A = arith.constant dense<true> : vector<224x1xi1>
      %not3A_577 = arith.xori %broadcast_in_dim3A_576, %not3A : vector<224x1xi1>
      %and3A_578 = arith.andi %lt3A_554, %not3A_577 : vector<224x1xi1>
      %mul3A_579 = arith.constant 80 : i32
      %mul3A_580 = vector.broadcast %mul3A_579 : i32 to vector<224x1xi32>
      %mul3A_581 = arith.muli %add3A_370, %mul3A_580 : vector<224x1xi32>
      %add3A_582 = arith.addi %mul3A_581, %convert_element_type3A_413 : vector<224x1xi32>
      %mul3A_583 = arith.constant 80 : i32
      %mul3A_584 = vector.broadcast %mul3A_583 : i32 to vector<1x224xi32>
      %mul3A_585 = arith.muli %add3A_493, %mul3A_584 : vector<1x224xi32>
      %add3A_586 = arith.addi %mul3A_585, %convert_element_type3A_536 : vector<1x224xi32>
      %eq3A_587 = vector.broadcast %add3A_582 : vector<224x1xi32> to vector<224x224xi32>
      %eq3A_588 = vector.broadcast %add3A_586 : vector<1x224xi32> to vector<224x224xi32>
      %eq3A_589 = arith.cmpi eq, %eq3A_587, %eq3A_588 : vector<224x224xi32>
      %lt3A_590 = vector.broadcast %iota3A_552 : vector<1x224xi32> to vector<224x224xi32>
      %lt3A_591 = vector.broadcast %iota3A : vector<224x1xi32> to vector<224x224xi32>
      %lt3A_592 = arith.cmpi slt, %lt3A_590, %lt3A_591 : vector<224x224xi32>
      %and3A_593 = arith.andi %eq3A_589, %lt3A_592 : vector<224x224xi1>
      %and3A_594 = vector.broadcast %lt3A_557 : vector<1x224xi1> to vector<224x224xi1>
      %and3A_595 = arith.andi %and3A_593, %and3A_594 : vector<224x224xi1>
      %reduce_or3A_596 = arith.constant 1.000000e+00 : f32
      %reduce_or3A_597 = arith.constant 0.000000e+00 : f32
      %reduce_or3A_598 = vector.broadcast %reduce_or3A_596 : f32 to vector<224x224xf32>
      %reduce_or3A_599 = vector.broadcast %reduce_or3A_597 : f32 to vector<224x224xf32>
      %reduce_or3A_600 = arith.select %and3A_595, %reduce_or3A_598, %reduce_or3A_599 : vector<224x224xi1>, vector<224x224xf32>
      %reduce_or3A_601 = arith.constant dense<0xFF800000> : vector<224xf32>
      %reduce_or3A_602 = vector.multi_reduction <maximumf>, %reduce_or3A_600, %reduce_or3A_601 [1] : vector<224x224xf32> to vector<224xf32>
      %reduce_or3A_603 = arith.constant 0.000000e+00 : f32
      %reduce_or3A_604 = vector.broadcast %reduce_or3A_603 : f32 to vector<224xf32>
      %reduce_or3A_605 = arith.cmpf ogt, %reduce_or3A_602, %reduce_or3A_604 : vector<224xf32>
      %broadcast_in_dim3A_606 = vector.shape_cast %reduce_or3A_605 : vector<224xi1> to vector<224x1xi1>
      %not3A_607 = arith.constant dense<true> : vector<224x1xi1>
      %not3A_608 = arith.xori %broadcast_in_dim3A_606, %not3A_607 : vector<224x1xi1>
      %and3A_609 = arith.andi %lt3A_554, %not3A_608 : vector<224x1xi1>
      %concatenate3A = tpu.concatenate %add3A_384, %add3A_398, %add3A_412 in 0 : vector<224x1xi32>, vector<224x1xi32>, vector<224x1xi32> -> vector<672x1xi32>
      %concatenate3A_610 = tpu.concatenate %add3A_507, %add3A_521, %add3A_535 in 1 : vector<1x224xi32>, vector<1x224xi32>, vector<1x224xi32> -> vector<1x672xi32>
      %eq3A_611 = arith.constant 0 : i32
      %eq3A_612 = vector.broadcast %eq3A_611 : i32 to vector<224x1xi32>
      %eq3A_613 = arith.cmpi eq, %select_n3A_349, %eq3A_612 : vector<224x1xi32>
      %gt3A_614 = arith.constant 5.000000e-01 : f32
      %gt3A_615 = vector.broadcast %gt3A_614 : f32 to vector<224x1xf32>
      %gt3A_616 = arith.cmpf ogt, %div3A_307, %gt3A_615 : vector<224x1xf32>
      %or3A = arith.ori %eq3A_613, %gt3A_616 : vector<224x1xi1>
      %and3A_617 = arith.andi %lt3A_554, %or3A : vector<224x1xi1>
      %convert_element_type3A_618 = arith.extui %and3A_617 : vector<224x1xi1> to vector<224x1xi32>
      %eq3A_619 = arith.constant 1 : i32
      %eq3A_620 = vector.broadcast %eq3A_619 : i32 to vector<224x1xi32>
      %eq3A_621 = arith.cmpi eq, %select_n3A_349, %eq3A_620 : vector<224x1xi32>
      %gt3A_622 = arith.constant 5.000000e-01 : f32
      %gt3A_623 = vector.broadcast %gt3A_622 : f32 to vector<224x1xf32>
      %gt3A_624 = arith.cmpf ogt, %div3A_323, %gt3A_623 : vector<224x1xf32>
      %or3A_625 = arith.ori %eq3A_621, %gt3A_624 : vector<224x1xi1>
      %and3A_626 = arith.andi %lt3A_554, %or3A_625 : vector<224x1xi1>
      %convert_element_type3A_627 = arith.extui %and3A_626 : vector<224x1xi1> to vector<224x1xi32>
      %eq3A_628 = arith.constant 2 : i32
      %eq3A_629 = vector.broadcast %eq3A_628 : i32 to vector<224x1xi32>
      %eq3A_630 = arith.cmpi eq, %select_n3A_349, %eq3A_629 : vector<224x1xi32>
      %gt3A_631 = arith.constant 5.000000e-01 : f32
      %gt3A_632 = vector.broadcast %gt3A_631 : f32 to vector<224x1xf32>
      %gt3A_633 = arith.cmpf ogt, %div3A_339, %gt3A_632 : vector<224x1xf32>
      %or3A_634 = arith.ori %eq3A_630, %gt3A_633 : vector<224x1xi1>
      %and3A_635 = arith.andi %lt3A_554, %or3A_634 : vector<224x1xi1>
      %convert_element_type3A_636 = arith.extui %and3A_635 : vector<224x1xi1> to vector<224x1xi32>
      %concatenate3A_637 = tpu.concatenate %convert_element_type3A_618, %convert_element_type3A_627, %convert_element_type3A_636 in 0 : vector<224x1xi32>, vector<224x1xi32>, vector<224x1xi32> -> vector<672x1xi32>
      %ne3A_638 = arith.constant 0 : i32
      %ne3A_639 = vector.broadcast %ne3A_638 : i32 to vector<672x1xi32>
      %ne3A_640 = arith.cmpi ne, %concatenate3A_637, %ne3A_639 : vector<672x1xi32>
      %eq3A_641 = arith.constant 0 : i32
      %eq3A_642 = vector.broadcast %eq3A_641 : i32 to vector<1x224xi32>
      %eq3A_643 = arith.cmpi eq, %select_n3A_472, %eq3A_642 : vector<1x224xi32>
      %gt3A_644 = arith.constant 5.000000e-01 : f32
      %gt3A_645 = vector.broadcast %gt3A_644 : f32 to vector<1x224xf32>
      %gt3A_646 = arith.cmpf ogt, %div3A_429, %gt3A_645 : vector<1x224xf32>
      %or3A_647 = arith.ori %eq3A_643, %gt3A_646 : vector<1x224xi1>
      %and3A_648 = arith.andi %lt3A_557, %or3A_647 : vector<1x224xi1>
      %convert_element_type3A_649 = arith.extui %and3A_648 : vector<1x224xi1> to vector<1x224xi32>
      %eq3A_650 = arith.constant 1 : i32
      %eq3A_651 = vector.broadcast %eq3A_650 : i32 to vector<1x224xi32>
      %eq3A_652 = arith.cmpi eq, %select_n3A_472, %eq3A_651 : vector<1x224xi32>
      %gt3A_653 = arith.constant 5.000000e-01 : f32
      %gt3A_654 = vector.broadcast %gt3A_653 : f32 to vector<1x224xf32>
      %gt3A_655 = arith.cmpf ogt, %div3A_445, %gt3A_654 : vector<1x224xf32>
      %or3A_656 = arith.ori %eq3A_652, %gt3A_655 : vector<1x224xi1>
      %and3A_657 = arith.andi %lt3A_557, %or3A_656 : vector<1x224xi1>
      %convert_element_type3A_658 = arith.extui %and3A_657 : vector<1x224xi1> to vector<1x224xi32>
      %eq3A_659 = arith.constant 2 : i32
      %eq3A_660 = vector.broadcast %eq3A_659 : i32 to vector<1x224xi32>
      %eq3A_661 = arith.cmpi eq, %select_n3A_472, %eq3A_660 : vector<1x224xi32>
      %gt3A_662 = arith.constant 5.000000e-01 : f32
      %gt3A_663 = vector.broadcast %gt3A_662 : f32 to vector<1x224xf32>
      %gt3A_664 = arith.cmpf ogt, %div3A_461, %gt3A_663 : vector<1x224xf32>
      %or3A_665 = arith.ori %eq3A_661, %gt3A_664 : vector<1x224xi1>
      %and3A_666 = arith.andi %lt3A_557, %or3A_665 : vector<1x224xi1>
      %convert_element_type3A_667 = arith.extui %and3A_666 : vector<1x224xi1> to vector<1x224xi32>
      %concatenate3A_668 = tpu.concatenate %convert_element_type3A_649, %convert_element_type3A_658, %convert_element_type3A_667 in 1 : vector<1x224xi32>, vector<1x224xi32>, vector<1x224xi32> -> vector<1x672xi32>
      %ne3A_669 = arith.constant 0 : i32
      %ne3A_670 = vector.broadcast %ne3A_669 : i32 to vector<1x672xi32>
      %ne3A_671 = arith.cmpi ne, %concatenate3A_668, %ne3A_670 : vector<1x672xi32>
      %iota3A_672 = tpu.iota {dimensions = array<i32: 0>} : vector<672x1xi32>
      %iota3A_673 = tpu.iota {dimensions = array<i32: 1>} : vector<1x672xi32>
      %eq3A_674 = vector.broadcast %concatenate3A : vector<672x1xi32> to vector<672x672xi32>
      %eq3A_675 = vector.broadcast %concatenate3A_610 : vector<1x672xi32> to vector<672x672xi32>
      %eq3A_676 = arith.cmpi eq, %eq3A_674, %eq3A_675 : vector<672x672xi32>
      %lt3A_677 = vector.broadcast %iota3A_673 : vector<1x672xi32> to vector<672x672xi32>
      %lt3A_678 = vector.broadcast %iota3A_672 : vector<672x1xi32> to vector<672x672xi32>
      %lt3A_679 = arith.cmpi slt, %lt3A_677, %lt3A_678 : vector<672x672xi32>
      %and3A_680 = arith.andi %eq3A_676, %lt3A_679 : vector<672x672xi1>
      %and3A_681 = vector.broadcast %ne3A_671 : vector<1x672xi1> to vector<672x672xi1>
      %and3A_682 = arith.andi %and3A_680, %and3A_681 : vector<672x672xi1>
      %reduce_or3A_683 = arith.constant 1.000000e+00 : f32
      %reduce_or3A_684 = arith.constant 0.000000e+00 : f32
      %reduce_or3A_685 = vector.broadcast %reduce_or3A_683 : f32 to vector<672x672xf32>
      %reduce_or3A_686 = vector.broadcast %reduce_or3A_684 : f32 to vector<672x672xf32>
      %reduce_or3A_687 = arith.select %and3A_682, %reduce_or3A_685, %reduce_or3A_686 : vector<672x672xi1>, vector<672x672xf32>
      %reduce_or3A_688 = arith.constant dense<0xFF800000> : vector<672xf32>
      %reduce_or3A_689 = vector.multi_reduction <maximumf>, %reduce_or3A_687, %reduce_or3A_688 [1] : vector<672x672xf32> to vector<672xf32>
      %reduce_or3A_690 = arith.constant 0.000000e+00 : f32
      %reduce_or3A_691 = vector.broadcast %reduce_or3A_690 : f32 to vector<672xf32>
      %reduce_or3A_692 = arith.cmpf ogt, %reduce_or3A_689, %reduce_or3A_691 : vector<672xf32>
      %broadcast_in_dim3A_693 = vector.shape_cast %reduce_or3A_692 : vector<672xi1> to vector<672x1xi1>
      %not3A_694 = arith.constant dense<true> : vector<672x1xi1>
      %not3A_695 = arith.xori %broadcast_in_dim3A_693, %not3A_694 : vector<672x1xi1>
      %and3A_696 = arith.andi %ne3A_640, %not3A_695 : vector<672x1xi1>
      %slice3A_697 = vector.extract_strided_slice %add3A_271 {offsets = [0, 4], sizes = [224, 1], strides = [1, 1]} : vector<224x255xf32> to vector<224x1xf32>
      %slice3A_698 = vector.extract_strided_slice %add3A_271 {offsets = [0, 89], sizes = [224, 1], strides = [1, 1]} : vector<224x255xf32> to vector<224x1xf32>
      %slice3A_699 = vector.extract_strided_slice %add3A_271 {offsets = [0, 174], sizes = [224, 1], strides = [1, 1]} : vector<224x255xf32> to vector<224x1xf32>
      %concatenate3A_700 = tpu.concatenate %slice3A_697, %slice3A_698, %slice3A_699 in 0 : vector<224x1xf32>, vector<224x1xf32>, vector<224x1xf32> -> vector<672x1xf32>
      %neg3A_701 = arith.constant 0.000000e+00 : f32
      %neg3A_702 = vector.broadcast %neg3A_701 : f32 to vector<672x1xf32>
      %neg3A_703 = arith.subf %neg3A_702, %concatenate3A_700 : vector<672x1xf32>
      %exp3A_704 = math.exp %neg3A_703 : vector<672x1xf32>
      %add3A_705 = arith.constant 1.000000e+00 : f32
      %add3A_706 = vector.broadcast %add3A_705 : f32 to vector<672x1xf32>
      %add3A_707 = arith.addf %add3A_706, %exp3A_704 : vector<672x1xf32>
      %div3A_708 = arith.constant 1.000000e+00 : f32
      %div3A_709 = vector.broadcast %div3A_708 : f32 to vector<672x1xf32>
      %div3A_710 = arith.divf %div3A_709, %add3A_707 : vector<672x1xf32>
      %jit3A_711 = arith.constant 1.000000e-07 : f32
      %jit3A_712 = arith.constant 0.99999988 : f32
      %max3A_713 = vector.broadcast %jit3A_711 : f32 to vector<672x1xf32>
      %max3A_714 = arith.maximumf %max3A_713, %div3A_710 : vector<672x1xf32>
      %min3A_715 = vector.broadcast %jit3A_712 : f32 to vector<672x1xf32>
      %min3A_716 = arith.minimumf %min3A_715, %max3A_714 : vector<672x1xf32>
      %convert_element_type3A_717 = arith.extui %and3A_696 : vector<672x1xi1> to vector<672x1xi32>
      %convert_element_type3A_718 = arith.sitofp %convert_element_type3A_717 : vector<672x1xi32> to vector<672x1xf32>
      %sub3A_719 = arith.constant 1.000000e+00 : f32
      %sub3A_720 = vector.broadcast %sub3A_719 : f32 to vector<672x1xf32>
      %sub3A_721 = arith.subf %sub3A_720, %min3A_716 : vector<672x1xf32>
      %log3A_722 = math.log %sub3A_721 : vector<672x1xf32>
      %neg3A_723 = arith.constant 0.000000e+00 : f32
      %neg3A_724 = vector.broadcast %neg3A_723 : f32 to vector<672x1xf32>
      %neg3A_725 = arith.subf %neg3A_724, %log3A_722 : vector<672x1xf32>
      %mul3A_726 = arith.mulf %convert_element_type3A_718, %neg3A_725 : vector<672x1xf32>
      %reduce_sum3A_727 = vector.shape_cast %mul3A_726 : vector<672x1xf32> to vector<1x672x1xf32>
      %reduce_sum3A_728 = arith.constant dense<0.000000e+00> : vector<1xf32>
      %reduce_sum3A_729 = vector.multi_reduction <add>, %reduce_sum3A_727, %reduce_sum3A_728 [1, 2] : vector<1x672x1xf32> to vector<1xf32>
      %reduce_sum3A_730 = vector.shape_cast %reduce_sum3A_729 : vector<1xf32> to vector<1x1x1xf32>
      %reduce_sum3A_731 = vector.extract %reduce_sum3A_730[0, 0, 0] : f32 from vector<1x1x1xf32>
      %reduce_sum3A_732 = vector.shape_cast %convert_element_type3A_718 : vector<672x1xf32> to vector<1x672x1xf32>
      %reduce_sum3A_733 = arith.constant dense<0.000000e+00> : vector<1xf32>
      %reduce_sum3A_734 = vector.multi_reduction <add>, %reduce_sum3A_732, %reduce_sum3A_733 [1, 2] : vector<1x672x1xf32> to vector<1xf32>
      %reduce_sum3A_735 = vector.shape_cast %reduce_sum3A_734 : vector<1xf32> to vector<1x1x1xf32>
      %reduce_sum3A_736 = vector.extract %reduce_sum3A_735[0, 0, 0] : f32 from vector<1x1x1xf32>
      %convert_element_type3A_737 = arith.extui %and3A_578 : vector<224x1xi1> to vector<224x1xi32>
      %convert_element_type3A_738 = arith.sitofp %convert_element_type3A_737 : vector<224x1xi32> to vector<224x1xf32>
      %reduce_sum3A_739 = vector.shape_cast %convert_element_type3A_738 : vector<224x1xf32> to vector<1x224x1xf32>
      %reduce_sum3A_740 = arith.constant dense<0.000000e+00> : vector<1xf32>
      %reduce_sum3A_741 = vector.multi_reduction <add>, %reduce_sum3A_739, %reduce_sum3A_740 [1, 2] : vector<1x224x1xf32> to vector<1xf32>
      %reduce_sum3A_742 = vector.shape_cast %reduce_sum3A_741 : vector<1xf32> to vector<1x1x1xf32>
      %reduce_sum3A_743 = vector.extract %reduce_sum3A_742[0, 0, 0] : f32 from vector<1x1x1xf32>
      %sub3A_744 = arith.constant 9.830400e+04 : f32
      %sub3A_745 = arith.subf %sub3A_744, %reduce_sum3A_736 : f32
      %sub3A_746 = arith.subf %get3A_274, %reduce_sum3A_731 : f32
      %max3A_747 = arith.constant 1.000000e+00 : f32
      %max3A_748 = arith.maximumf %sub3A_745, %max3A_747 : f32
      %div3A_749 = arith.divf %sub3A_746, %max3A_748 : f32
      %slice3A_750 = vector.extract_strided_slice %select_n3A_551 {offsets = [0, 4], sizes = [224, 1], strides = [1, 1]} : vector<224x85xf32> to vector<224x1xf32>
      %neg3A_751 = arith.constant 0.000000e+00 : f32
      %neg3A_752 = vector.broadcast %neg3A_751 : f32 to vector<224x1xf32>
      %neg3A_753 = arith.subf %neg3A_752, %slice3A_750 : vector<224x1xf32>
      %exp3A_754 = math.exp %neg3A_753 : vector<224x1xf32>
      %add3A_755 = arith.constant 1.000000e+00 : f32
      %add3A_756 = vector.broadcast %add3A_755 : f32 to vector<224x1xf32>
      %add3A_757 = arith.addf %add3A_756, %exp3A_754 : vector<224x1xf32>
      %div3A_758 = arith.constant 1.000000e+00 : f32
      %div3A_759 = vector.broadcast %div3A_758 : f32 to vector<224x1xf32>
      %div3A_760 = arith.divf %div3A_759, %add3A_757 : vector<224x1xf32>
      %jit3A_761 = arith.constant 1.000000e-07 : f32
      %jit3A_762 = arith.constant 0.99999988 : f32
      %max3A_763 = vector.broadcast %jit3A_761 : f32 to vector<224x1xf32>
      %max3A_764 = arith.maximumf %max3A_763, %div3A_760 : vector<224x1xf32>
      %min3A_765 = vector.broadcast %jit3A_762 : f32 to vector<224x1xf32>
      %min3A_766 = arith.minimumf %min3A_765, %max3A_764 : vector<224x1xf32>
      %log3A_767 = math.log %min3A_766 : vector<224x1xf32>
      %neg3A_768 = arith.constant 0.000000e+00 : f32
      %neg3A_769 = vector.broadcast %neg3A_768 : f32 to vector<224x1xf32>
      %neg3A_770 = arith.subf %neg3A_769, %log3A_767 : vector<224x1xf32>
      %mul3A_771 = arith.mulf %convert_element_type3A_738, %neg3A_770 : vector<224x1xf32>
      %reduce_sum3A_772 = vector.shape_cast %mul3A_771 : vector<224x1xf32> to vector<1x224x1xf32>
      %reduce_sum3A_773 = arith.constant dense<0.000000e+00> : vector<1xf32>
      %reduce_sum3A_774 = vector.multi_reduction <add>, %reduce_sum3A_772, %reduce_sum3A_773 [1, 2] : vector<1x224x1xf32> to vector<1xf32>
      %reduce_sum3A_775 = vector.shape_cast %reduce_sum3A_774 : vector<1xf32> to vector<1x1x1xf32>
      %reduce_sum3A_776 = vector.extract %reduce_sum3A_775[0, 0, 0] : f32 from vector<1x1x1xf32>
      %max3A_777 = arith.constant 1.000000e+00 : f32
      %max3A_778 = arith.maximumf %reduce_sum3A_743, %max3A_777 : f32
      %div3A_779 = arith.divf %reduce_sum3A_776, %max3A_778 : f32
      %mul3A_780 = arith.constant 5.000000e-01 : f32
      %mul3A_781 = arith.mulf %mul3A_780, %div3A_749 : f32
      %mul3A_782 = arith.constant 1.000000e+00 : f32
      %mul3A_783 = arith.mulf %mul3A_782, %div3A_779 : f32
      %add3A_784 = arith.addf %mul3A_781, %mul3A_783 : f32
      %slice3A_785 = vector.extract_strided_slice %select_n3A_551 {offsets = [0, 0], sizes = [224, 1], strides = [1, 1]} : vector<224x85xf32> to vector<224x1xf32>
      %neg3A_786 = arith.constant 0.000000e+00 : f32
      %neg3A_787 = vector.broadcast %neg3A_786 : f32 to vector<224x1xf32>
      %neg3A_788 = arith.subf %neg3A_787, %slice3A_785 : vector<224x1xf32>
      %exp3A_789 = math.exp %neg3A_788 : vector<224x1xf32>
      %add3A_790 = arith.constant 1.000000e+00 : f32
      %add3A_791 = vector.broadcast %add3A_790 : f32 to vector<224x1xf32>
      %add3A_792 = arith.addf %add3A_791, %exp3A_789 : vector<224x1xf32>
      %div3A_793 = arith.constant 1.000000e+00 : f32
      %div3A_794 = vector.broadcast %div3A_793 : f32 to vector<224x1xf32>
      %div3A_795 = arith.divf %div3A_794, %add3A_792 : vector<224x1xf32>
      %slice3A_796 = vector.extract_strided_slice %select_n3A_551 {offsets = [0, 1], sizes = [224, 1], strides = [1, 1]} : vector<224x85xf32> to vector<224x1xf32>
      %neg3A_797 = arith.constant 0.000000e+00 : f32
      %neg3A_798 = vector.broadcast %neg3A_797 : f32 to vector<224x1xf32>
      %neg3A_799 = arith.subf %neg3A_798, %slice3A_796 : vector<224x1xf32>
      %exp3A_800 = math.exp %neg3A_799 : vector<224x1xf32>
      %add3A_801 = arith.constant 1.000000e+00 : f32
      %add3A_802 = vector.broadcast %add3A_801 : f32 to vector<224x1xf32>
      %add3A_803 = arith.addf %add3A_802, %exp3A_800 : vector<224x1xf32>
      %div3A_804 = arith.constant 1.000000e+00 : f32
      %div3A_805 = vector.broadcast %div3A_804 : f32 to vector<224x1xf32>
      %div3A_806 = arith.divf %div3A_805, %add3A_803 : vector<224x1xf32>
      %slice3A_807 = vector.extract_strided_slice %select_n3A_551 {offsets = [0, 2], sizes = [224, 1], strides = [1, 1]} : vector<224x85xf32> to vector<224x1xf32>
      %slice3A_808 = vector.extract_strided_slice %select_n3A_551 {offsets = [0, 3], sizes = [224, 1], strides = [1, 1]} : vector<224x85xf32> to vector<224x1xf32>
      %eq3A_809 = arith.constant 0 : i32
      %eq3A_810 = vector.broadcast %eq3A_809 : i32 to vector<224x1xi32>
      %eq3A_811 = arith.cmpi eq, %select_n3A_349, %eq3A_810 : vector<224x1xi32>
      %eq3A_812 = arith.constant 1 : i32
      %eq3A_813 = vector.broadcast %eq3A_812 : i32 to vector<224x1xi32>
      %eq3A_814 = arith.cmpi eq, %select_n3A_349, %eq3A_813 : vector<224x1xi32>
      %jit3A_815 = arith.constant 1.000000e-01 : f32
      %jit3A_816 = arith.constant 2.000000e-01 : f32
      %broadcast_in_dim3A_817 = vector.broadcast %jit3A_815 : f32 to vector<224x1xf32>
      %broadcast_in_dim3A_818 = vector.broadcast %jit3A_816 : f32 to vector<224x1xf32>
      %select_n3A_819 = arith.select %eq3A_814, %broadcast_in_dim3A_817, %broadcast_in_dim3A_818 : vector<224x1xi1>, vector<224x1xf32>
      %jit3A_820 = arith.constant 5.000000e-02 : f32
      %broadcast_in_dim3A_821 = vector.broadcast %jit3A_820 : f32 to vector<224x1xf32>
      %select_n3A_822 = arith.select %eq3A_811, %broadcast_in_dim3A_821, %select_n3A_819 : vector<224x1xi1>, vector<224x1xf32>
      %eq3A_823 = arith.constant 0 : i32
      %eq3A_824 = vector.broadcast %eq3A_823 : i32 to vector<224x1xi32>
      %eq3A_825 = arith.cmpi eq, %select_n3A_349, %eq3A_824 : vector<224x1xi32>
      %eq3A_826 = arith.constant 1 : i32
      %eq3A_827 = vector.broadcast %eq3A_826 : i32 to vector<224x1xi32>
      %eq3A_828 = arith.cmpi eq, %select_n3A_349, %eq3A_827 : vector<224x1xi32>
      %jit3A_829 = arith.constant 1.500000e-01 : f32
      %jit3A_830 = arith.constant 3.000000e-01 : f32
      %broadcast_in_dim3A_831 = vector.broadcast %jit3A_829 : f32 to vector<224x1xf32>
      %broadcast_in_dim3A_832 = vector.broadcast %jit3A_830 : f32 to vector<224x1xf32>
      %select_n3A_833 = arith.select %eq3A_828, %broadcast_in_dim3A_831, %broadcast_in_dim3A_832 : vector<224x1xi1>, vector<224x1xf32>
      %jit3A_834 = arith.constant 8.000000e-02 : f32
      %broadcast_in_dim3A_835 = vector.broadcast %jit3A_834 : f32 to vector<224x1xf32>
      %select_n3A_836 = arith.select %eq3A_825, %broadcast_in_dim3A_835, %select_n3A_833 : vector<224x1xi1>, vector<224x1xf32>
      %floor3A = math.floor %slice3A_282 : vector<224x1xf32>
      %sub3A_837 = arith.subf %slice3A_282, %floor3A : vector<224x1xf32>
      %floor3A_838 = math.floor %slice3A_283 : vector<224x1xf32>
      %sub3A_839 = arith.subf %slice3A_283, %floor3A_838 : vector<224x1xf32>
      %sub3A_840 = arith.subf %div3A_795, %sub3A_837 : vector<224x1xf32>
      %integer_pow3A = arith.mulf %sub3A_840, %sub3A_840 : vector<224x1xf32>
      %sub3A_841 = arith.subf %div3A_806, %sub3A_839 : vector<224x1xf32>
      %integer_pow3A_842 = arith.mulf %sub3A_841, %sub3A_841 : vector<224x1xf32>
      %add3A_843 = arith.addf %integer_pow3A, %integer_pow3A_842 : vector<224x1xf32>
      %div3A_844 = arith.divf %slice3A_284, %select_n3A_822 : vector<224x1xf32>
      %add3A_845 = arith.constant 1.000000e-16 : f32
      %add3A_846 = vector.broadcast %add3A_845 : f32 to vector<224x1xf32>
      %add3A_847 = arith.addf %div3A_844, %add3A_846 : vector<224x1xf32>
      %log3A_848 = math.log %add3A_847 : vector<224x1xf32>
      %sub3A_849 = arith.subf %slice3A_807, %log3A_848 : vector<224x1xf32>
      %integer_pow3A_850 = arith.mulf %sub3A_849, %sub3A_849 : vector<224x1xf32>
      %add3A_851 = arith.addf %add3A_843, %integer_pow3A_850 : vector<224x1xf32>
      %div3A_852 = arith.divf %slice3A_285, %select_n3A_836 : vector<224x1xf32>
      %add3A_853 = arith.constant 1.000000e-16 : f32
      %add3A_854 = vector.broadcast %add3A_853 : f32 to vector<224x1xf32>
      %add3A_855 = arith.addf %div3A_852, %add3A_854 : vector<224x1xf32>
      %log3A_856 = math.log %add3A_855 : vector<224x1xf32>
      %sub3A_857 = arith.subf %slice3A_808, %log3A_856 : vector<224x1xf32>
      %integer_pow3A_858 = arith.mulf %sub3A_857, %sub3A_857 : vector<224x1xf32>
      %add3A_859 = arith.addf %add3A_851, %integer_pow3A_858 : vector<224x1xf32>
      %mul3A_860 = arith.mulf %convert_element_type3A_738, %add3A_859 : vector<224x1xf32>
      %reduce_sum3A_861 = vector.shape_cast %mul3A_860 : vector<224x1xf32> to vector<1x224x1xf32>
      %reduce_sum3A_862 = arith.constant dense<0.000000e+00> : vector<1xf32>
      %reduce_sum3A_863 = vector.multi_reduction <add>, %reduce_sum3A_861, %reduce_sum3A_862 [1, 2] : vector<1x224x1xf32> to vector<1xf32>
      %reduce_sum3A_864 = vector.shape_cast %reduce_sum3A_863 : vector<1xf32> to vector<1x1x1xf32>
      %reduce_sum3A_865 = vector.extract %reduce_sum3A_864[0, 0, 0] : f32 from vector<1x1x1xf32>
      %max3A_866 = arith.constant 1.000000e+00 : f32
      %max3A_867 = arith.maximumf %reduce_sum3A_743, %max3A_866 : f32
      %div3A_868 = arith.divf %reduce_sum3A_865, %max3A_867 : f32
      %slice3A_869 = vector.extract_strided_slice %select_n3A_551 {offsets = [0, 5], sizes = [224, 80], strides = [1, 1]} : vector<224x85xf32> to vector<224x80xf32>
      %reduce_max3A = arith.constant dense<0xFF800000> : vector<224xf32>
      %reduce_max3A_870 = vector.multi_reduction <maximumf>, %slice3A_869, %reduce_max3A [1] : vector<224x80xf32> to vector<224xf32>
      %broadcast_in_dim3A_871 = vector.shape_cast %reduce_max3A_870 : vector<224xf32> to vector<224x1xf32>
      %sub3A_872 = vector.broadcast %broadcast_in_dim3A_871 : vector<224x1xf32> to vector<224x80xf32>
      %sub3A_873 = arith.subf %slice3A_869, %sub3A_872 : vector<224x80xf32>
      %exp3A_874 = math.exp %sub3A_873 : vector<224x80xf32>
      %reduce_sum3A_875 = arith.constant dense<0.000000e+00> : vector<224xf32>
      %reduce_sum3A_876 = vector.multi_reduction <add>, %exp3A_874, %reduce_sum3A_875 [1] : vector<224x80xf32> to vector<224xf32>
      %broadcast_in_dim3A_877 = vector.shape_cast %reduce_sum3A_876 : vector<224xf32> to vector<224x1xf32>
      %div3A_878 = vector.broadcast %broadcast_in_dim3A_877 : vector<224x1xf32> to vector<224x80xf32>
      %div3A_879 = arith.divf %exp3A_874, %div3A_878 : vector<224x80xf32>
      %jit3A_880 = arith.constant 1.000000e-07 : f32
      %jit3A_881 = arith.constant 0.99999988 : f32
      %max3A_882 = vector.broadcast %jit3A_880 : f32 to vector<224x80xf32>
      %max3A_883 = arith.maximumf %max3A_882, %div3A_879 : vector<224x80xf32>
      %min3A_884 = vector.broadcast %jit3A_881 : f32 to vector<224x80xf32>
      %min3A_885 = arith.minimumf %min3A_884, %max3A_883 : vector<224x80xf32>
      %sub3A_886 = arith.constant 1.000000e+00 : f32
      %sub3A_887 = vector.broadcast %sub3A_886 : f32 to vector<224x80xf32>
      %sub3A_888 = arith.subf %sub3A_887, %min3A_885 : vector<224x80xf32>
      %log3A_889 = math.log %sub3A_888 : vector<224x80xf32>
      %neg3A_890 = arith.constant 0.000000e+00 : f32
      %neg3A_891 = vector.broadcast %neg3A_890 : f32 to vector<224x80xf32>
      %neg3A_892 = arith.subf %neg3A_891, %log3A_889 : vector<224x80xf32>
      %reduce_sum3A_893 = arith.constant dense<0.000000e+00> : vector<224xf32>
      %reduce_sum3A_894 = vector.multi_reduction <add>, %neg3A_892, %reduce_sum3A_893 [1] : vector<224x80xf32> to vector<224xf32>
      %broadcast_in_dim3A_895 = vector.shape_cast %reduce_sum3A_894 : vector<224xf32> to vector<224x1xf32>
      %iota3A_896 = tpu.iota {dimensions = array<i32: 1>} : vector<224x80xi32>
      %eq3A_897 = vector.broadcast %convert_element_type3A_413 : vector<224x1xi32> to vector<224x80xi32>
      %eq3A_898 = arith.cmpi eq, %iota3A_896, %eq3A_897 : vector<224x80xi32>
      %convert_element_type3A_899 = arith.extui %eq3A_898 : vector<224x80xi1> to vector<224x80xi32>
      %convert_element_type3A_900 = arith.sitofp %convert_element_type3A_899 : vector<224x80xi32> to vector<224x80xf32>
      %log3A_901 = math.log %min3A_885 : vector<224x80xf32>
      %neg3A_902 = arith.constant 0.000000e+00 : f32
      %neg3A_903 = vector.broadcast %neg3A_902 : f32 to vector<224x80xf32>
      %neg3A_904 = arith.subf %neg3A_903, %log3A_901 : vector<224x80xf32>
      %sub3A_905 = arith.constant 1.000000e+00 : f32
      %sub3A_906 = vector.broadcast %sub3A_905 : f32 to vector<224x80xf32>
      %sub3A_907 = arith.subf %sub3A_906, %min3A_885 : vector<224x80xf32>
      %log3A_908 = math.log %sub3A_907 : vector<224x80xf32>
      %add3A_909 = arith.addf %neg3A_904, %log3A_908 : vector<224x80xf32>
      %mul3A_910 = arith.mulf %convert_element_type3A_900, %add3A_909 : vector<224x80xf32>
      %reduce_sum3A_911 = arith.constant dense<0.000000e+00> : vector<224xf32>
      %reduce_sum3A_912 = vector.multi_reduction <add>, %mul3A_910, %reduce_sum3A_911 [1] : vector<224x80xf32> to vector<224xf32>
      %broadcast_in_dim3A_913 = vector.shape_cast %reduce_sum3A_912 : vector<224xf32> to vector<224x1xf32>
      %mul3A_914 = arith.mulf %convert_element_type3A_738, %broadcast_in_dim3A_895 : vector<224x1xf32>
      %reduce_sum3A_915 = vector.shape_cast %mul3A_914 : vector<224x1xf32> to vector<1x224x1xf32>
      %reduce_sum3A_916 = arith.constant dense<0.000000e+00> : vector<1xf32>
      %reduce_sum3A_917 = vector.multi_reduction <add>, %reduce_sum3A_915, %reduce_sum3A_916 [1, 2] : vector<1x224x1xf32> to vector<1xf32>
      %reduce_sum3A_918 = vector.shape_cast %reduce_sum3A_917 : vector<1xf32> to vector<1x1x1xf32>
      %reduce_sum3A_919 = vector.extract %reduce_sum3A_918[0, 0, 0] : f32 from vector<1x1x1xf32>
      %convert_element_type3A_920 = arith.extui %and3A_609 : vector<224x1xi1> to vector<224x1xi32>
      %convert_element_type3A_921 = arith.sitofp %convert_element_type3A_920 : vector<224x1xi32> to vector<224x1xf32>
      %mul3A_922 = arith.mulf %convert_element_type3A_921, %broadcast_in_dim3A_913 : vector<224x1xf32>
      %reduce_sum3A_923 = vector.shape_cast %mul3A_922 : vector<224x1xf32> to vector<1x224x1xf32>
      %reduce_sum3A_924 = arith.constant dense<0.000000e+00> : vector<1xf32>
      %reduce_sum3A_925 = vector.multi_reduction <add>, %reduce_sum3A_923, %reduce_sum3A_924 [1, 2] : vector<1x224x1xf32> to vector<1xf32>
      %reduce_sum3A_926 = vector.shape_cast %reduce_sum3A_925 : vector<1xf32> to vector<1x1x1xf32>
      %reduce_sum3A_927 = vector.extract %reduce_sum3A_926[0, 0, 0] : f32 from vector<1x1x1xf32>
      %add3A_928 = arith.addf %reduce_sum3A_919, %reduce_sum3A_927 : f32
      %mul3A_929 = arith.constant 8.000000e+01 : f32
      %mul3A_930 = arith.mulf %mul3A_929, %reduce_sum3A_743 : f32
      %max3A_931 = arith.constant 1.000000e+00 : f32
      %max3A_932 = arith.maximumf %mul3A_930, %max3A_931 : f32
      %div3A_933 = arith.divf %add3A_928, %max3A_932 : f32
      %mul3A_934 = arith.constant 1.000000e+00 : f32
      %mul3A_935 = arith.mulf %reduce_sum3A_743, %mul3A_934 : f32
      %mul3A_936 = arith.mulf %mul3A_935, %div3A_868 : f32
      %add3A_937 = arith.addf %mul3A_936, %add3A_784 : f32
      %mul3A_938 = arith.constant 1.000000e+00 : f32
      %mul3A_939 = arith.mulf %mul3A_938, %div3A_933 : f32
      %mul3A_940 = arith.mulf %mul3A_939, %reduce_sum3A_743 : f32
      %add3A_941 = arith.addf %add3A_937, %mul3A_940 : f32
      %broadcast_in_dim3A_942 = vector.broadcast %add3A_941 : f32 to vector<1x1xf32>
      %swap3A_943 = arith.constant 0 : index
      %swap3A_944 = arith.constant 0 : index
      %swap3A_945 = vector.load %arg6[%swap3A_943, %swap3A_944] : memref<1x1xf32, #tpu.memory_space<vmem>>, vector<1x1xf32>
      tpu.vector_store %arg6[%swap3A_943, %swap3A_944], %broadcast_in_dim3A_942 {strides = array<i32>} : memref<1x1xf32, #tpu.memory_space<vmem>>, vector<1x1xf32>,
    } else {
    }
    return
  }
  func.func @transform_0(%arg0: i32, %arg1: memref<672xi32, #tpu.memory_space<smem>>) -> (i32, i32, i32) {
    %c0_i32 = arith.constant 0 : i32
    %c0_i32_0 = arith.constant 0 : i32
    %c0_i32_1 = arith.constant 0 : i32
    return %arg0, %c0_i32, %c0_i32_0 : i32, i32, i32
  }
  func.func @transform_2(%arg0: i32, %arg1: memref<672xi32, #tpu.memory_space<smem>>) -> (i32, i32) {
    %c0_i32 = arith.constant 0 : i32
    %c0_i32_0 = arith.constant 0 : i32
    %c0_i32_1 = arith.constant 0 : i32
    return %c0_i32, %c0_i32_0 : i32, i32
  }
  func.func @transform_3(%arg0: i32, %arg1: memref<672xi32, #tpu.memory_space<smem>>) -> (i32, i32) {
    %c0_i32 = arith.constant 0 : i32
    %c0_i32_0 = arith.constant 0 : i32
    %c0_i32_1 = arith.constant 0 : i32
    return %c0_i32, %c0_i32_0 : i32, i32
  }
  func.func @transform_4(%arg0: i32, %arg1: memref<672xi32, #tpu.memory_space<smem>>) -> (i32, i32) {
    %c0_i32 = arith.constant 0 : i32
    %c0_i32_0 = arith.constant 0 : i32
    %c0_i32_1 = arith.constant 0 : i32
    return %c0_i32, %c0_i32_0 : i32, i32
  }
}

</mosaic_0001>

<sc_bundles>
// kernel: kernel.4.cloned.1.call-start
scs
__scs_entry_jumppad:
0x0: {  	(pc) =	sbr.rel $0x88, $3  }
0x1: {  	(tag) =	ssettag $0x0;
	lr =	simm.s32 $0x1  }
0x2: {  	[smem:$0x3F9F] =	sst lr;
	_ =	strace $0xD0000000  }
0x3: {  	_ = 	snop  }
0x4: {  	_ = 	snop  }
0x5: {  	_ = 	snop  }
0x6: {  	_ = 	snop  }
0x7: {  	_ = 	snop  }
__scs_overlays_trampoline_lowered:
0x8: {  	[smem:$0x3FAE] =	sst s0  }
0x9: {  	[smem:$0x3FAF] =	sst s1  }
0xa: {  	[smem:$0x3FB0] =	sst s2  }
0xb: {  	[smem:$0x3FB1] =	sst s3  }
0xc: {  	[smem:$0x3FB2] =	sst s4  }
0xd: {  	[smem:$0x3FB3] =	sst s5  }
0xe: {  	[smem:$0x3FB4] =	sst s6  }
0xf: {  	[smem:$0x3FB5] =	sst s7  }
0x10: {  	[smem:$0x3FB6] =	sst s8  }
0x11: {  	[smem:$0x3FB7] =	sst s9;
	s0 =	simm.s32 @!p0 $0x0  }
0x12: {  	s1 =	sld [smem:$0x3F9D];
	s0 =	simm.s32 @p0 $0x1  }
0x13: {  	[smem:$0x3FB8] =	sst s0;
	s0 =	simm.s32 @!p1 $0x0  }
0x14: {  	s2 =	sld [smem:$0x3F9C];
	s0 =	simm.s32 @p1 $0x1  }
0x15: {  	[smem:$0x3FB9] =	sst s0;
	s0 =	simm.s32 @!p2 $0x0  }
0x16: {  	s3 =	sld [smem:$0x3FDB];
	s0 =	simm.s32 @p2 $0x1  }
0x17: {  	s4 =	simm.s32 $0x1BF5;
	[smem:$0x3FBB] =	sst s0  }
0x18: {  	s0 =	sld [smem:$0x3F9E];
	_ =	swait.ge [sflag:s4], $0x0  }
0x19: {  	s7 =	sld [smem:$0x3F9F]  }
0x1a: {  	s8 =	sadd.s32 $0xFFFFE003, lr  }
0x1b: {  	s9 =	sadd.s32 $0xFFFFFEF7, lr;
	s5 =	simm.s32 $0xFFFFFFFF;
	p2 =	slt.u32 s8, $0xFFFFF086  }
0x1c: {  	p1 =	slt.u32 s9, $0xF7A;
	s5 =	simm.s32 @!p2 $0x0  }
0x1d: {  	s5 =	simm.s32 @p1 $0x1;
	p0 =	seq.s32 s7, s2  }
0x1e: {  	s7 =	smul.u32 @!p0 $0xF7A, s2;
	p2 =	seq.s32 @!p0 s5, $0x0  }
0x1f: {  	s9 =	smul.u32 $0xF7A, s1;
	s8 =	simm.s32 @!p0 $0x1BF5;
	p2 =	por !p2, p0  }
0x20: {  	[sflag:s8] =	ssyncset.s32 @!p0 $0xFFFFF086;
	s6 =	sadd.s32 @!p0 s3, s7;
	s7 =	simm.s32 @!p0 $0x108  }
0x21: {  	s3 =	sadd.s32 s3, s9;
	s6 =	sadd.s32 @!p0 $0x88, s6;
	s7 =	simm.s32 @p2 $0x1082  }
0x22: {  	[simem:s7], [sflag:s8] =	dma.local @!p0 [hbm:s6], $0xF7A  }
0x23: {  	s9 =	sor.u32 $0xD0000000, s2;
	s6 =	simm.s32 $0x108;
	_ =	swait.ge @!p0 [sflag:s8], $0x0  }
0x24: {  	s3 =	sadd.s32 $0x88, s3;
	s6 =	simm.s32 @!p1 $0x1082;
	[sflag:s4] =	ssyncset.s32 $0xFFFFF086  }
0x25: {  	[simem:s6], [sflag:s4] =	dma.local [hbm:s3], $0xF7A  }
0x26: {  	[smem:$0x3F9F] =	sst s1;
	(tag) =	ssettag s2;
	_ =	strace s9  }
0x27: {  	s1 =	sld [smem:$0x3FAF]  }
0x28: {  	s2 =	sld [smem:$0x3FB0]  }
0x29: {  	s4 =	sld [smem:$0x3FB2]  }
0x2a: {  	p0 =	seq.s32 s5, $0x0;
	s5 =	sld [smem:$0x3FB3]  }
0x2b: {  	s6 =	sld [smem:$0x3FB4]  }
0x2c: {  	s7 =	sld [smem:$0x3FB5]  }
0x2d: {  	s3 =	simm.s32 $0x108;
	s8 =	sld [smem:$0x3FB6]  }
0x2e: {  	s3 =	simm.s32 @!p0 $0x1082;
	s9 =	sld [smem:$0x3FB7]  }
0x2f: {  	lr =	sadd.s32 s0, s3;
	s0 =	sld [smem:$0x3FAE]  }
0x30: {  	s3 =	sld [smem:$0x3FB1]  }
0x31: {  	[smem:$0x3FBA] =	sst s10  }
0x32: {  	s10 =	sld [smem:$0x3FB8];
	_ =	sdelay $0x3  }
0x33: {  	p0 =	seq.s32 s10, $0x1;
	s10 =	sld [smem:$0x3FBA];
	_ =	sdelay $0x3  }
0x34: {  	[smem:$0x3FBA] =	sst s10  }
0x35: {  	s10 =	sld [smem:$0x3FB9];
	_ =	sdelay $0x3  }
0x36: {  	p1 =	seq.s32 s10, $0x1;
	s10 =	sld [smem:$0x3FBA];
	_ =	sdelay $0x3  }
0x37: {  	[smem:$0x3FBA] =	sst s10  }
0x38: {  	s10 =	sld [smem:$0x3FBB]  }
0x39: {  	_ = 	snop;
	(pc) =	sbr.ind lr, $3  }
0x3a: {  	_ = 	snop  }
0x3b: {  	_ = 	snop  }
0x3c: {  	p2 =	seq.s32 s10, $0x1;
	s10 =	sld [smem:$0x3FBA]  }
0x3d: {  	_ =	shalt  }
0x3e: {  	_ =	shalt  }
0x3f: {  	_ =	shalt  }
0x40: {  	_ =	shalt  }
0x41: {  	_ =	shalt  }
0x42: {  	_ =	shalt  }
0x43: {  	_ =	shalt  }
0x44: {  	_ =	shalt  }
0x45: {  	_ =	shalt  }
0x46: {  	_ =	shalt  }
0x47: {  	_ =	shalt  }
0x48: {  	_ =	shalt  }
0x49: {  	_ =	shalt  }
0x4a: {  	_ =	shalt  }
0x4b: {  	_ =	shalt  }
0x4c: {  	_ =	shalt  }
0x4d: {  	_ =	shalt  }
0x4e: {  	_ =	shalt  }
0x4f: {  	_ =	shalt  }
0x50: {  	_ =	shalt  }
0x51: {  	_ =	shalt  }
0x52: {  	_ =	shalt  }
0x53: {  	_ =	shalt  }
0x54: {  	_ =	shalt  }
0x55: {  	_ =	shalt  }
0x56: {  	_ =	shalt  }
0x57: {  	_ =	shalt  }
0x58: {  	_ =	shalt  }
0x59: {  	_ =	shalt  }
0x5a: {  	_ =	shalt  }
0x5b: {  	_ =	shalt  }
0x5c: {  	_ =	shalt  }
0x5d: {  	_ =	shalt  }
0x5e: {  	_ =	shalt  }
0x5f: {  	_ =	shalt  }
0x60: {  	_ =	shalt  }
0x61: {  	_ =	shalt  }
0x62: {  	_ =	shalt  }
0x63: {  	_ =	shalt  }
0x64: {  	_ =	shalt  }
0x65: {  	_ =	shalt  }
0x66: {  	_ =	shalt  }
0x67: {  	_ =	shalt  }
0x68: {  	_ =	shalt  }
0x69: {  	_ =	shalt  }
0x6a: {  	_ =	shalt  }
0x6b: {  	_ =	shalt  }
0x6c: {  	_ =	shalt  }
0x6d: {  	_ =	shalt  }
0x6e: {  	_ =	shalt  }
0x6f: {  	_ =	shalt  }
0x70: {  	_ =	shalt  }
0x71: {  	_ =	shalt  }
0x72: {  	_ =	shalt  }
0x73: {  	_ =	shalt  }
0x74: {  	_ =	shalt  }
0x75: {  	_ =	shalt  }
0x76: {  	_ =	shalt  }
0x77: {  	_ =	shalt  }
0x78: {  	_ =	shalt  }
0x79: {  	_ =	shalt  }
0x7a: {  	_ =	shalt  }
0x7b: {  	_ =	shalt  }
0x7c: {  	_ =	shalt  }
0x7d: {  	_ =	shalt  }
0x7e: {  	_ =	shalt  }
0x7f: {  	_ =	shalt  }
0x80: {  	_ =	shalt  }
0x81: {  	_ =	shalt  }
0x82: {  	_ =	shalt  }
0x83: {  	_ =	shalt  }
0x84: {  	_ =	shalt  }
0x85: {  	_ =	shalt  }
0x86: {  	_ =	shalt  }
0x87: {  	_ =	shalt  }
.Lfunc_end0:
.L_simem_size_0:
called_computation_lowered:
.L_overlay_start_0:
0x88: {  	s2 =	sld [smem:$0x3FD9]  }
0x89: {  	s3 =	sld [smem:$0x3FFE];
	_ =	sdelay $0x1  }
0x8a: {  	s1 =	srdreg.scid  }
0x8b: {  	s0 =	sand.u32 $0x1, s1  }
0x8c: {  	s16 =	sshll.u32 s0, $0xA;
	s2 =	sadd.s32 s3, s2  }
0x8d: {  	s2 =	sadd.s32 s2, s16  }
0x8e: {  	[smem:$0x3FC6] =	sst s2  }
0x8f: {  	_ = 	snop  }
0x90: {  	(tm) =	ssettm $0x1  }
0x91: {  	s17 =	sld [smem:$0x3FFB];
	_ =	sdelay $0x3  }
0x92: {  	_ =	strace s17  }
0x93: {  	s2 =	sld [smem:$0x3FFC];
	_ =	sdelay $0x3  }
0x94: {  	_ =	strace s2  }
0x95: {  	s2 =	sld [smem:$0x3FFD];
	_ =	sdelay $0x3  }
0x96: {  	_ =	strace s2  }
0x97: {  	_ =	strace $0x8FFFFFFF  }
0x98: {  	s18 =	sld [smem:$0x3FDB];
	_ =	sdelay $0x1  }
0x99: {  	s19 =	simm.s32 $_scs_section_size  }
0x9a: {  	s4 =	simm.s32 $_size__tile_overlayer_lowered;
	s5 =	simm.s32 $_tile_overlayer_lowered  }
0x9b: {  	s22 =	simm.s32 $0x1BFF;
	s21 =	sshll.u32 s5, $0x1;
	s2 =	sadd.s32 s19, s18  }
0x9c: {  	s6 =	simm.s32 $0x0;
	s20 =	sshll.u32 s4, $0x1;
	s4 =	sadd.s32 s21, s2  }
0x9d: {  	[timem:s6], [sflag:s22] =	dma.local [hbm:s4], s20  }
0x9e: {  	_ =	swait.ge [sflag:s22], s20  }
0x9f: {  	s3 =	ssub.s32 $0x0, s20;
	[sflag:s22] =	ssyncset.done $0x0  }
0xa0: {  	[sflag:s22] =	ssyncadd.s32 s3;
	_ =	sdelay $0x1  }
0xa1: {  	s23 =	simm.s32 $0x1B8B  }
0xa2: {  	_ =	swait.ge [sflag:s23], $0x1  }
0xa3: {  	[sflag:s23] =	ssyncset.done $0x0  }
0xa4: {  	s25 =	simm.s32 $0x1B8E;
	s24 =	sld [smem:$0x3FFE];
	[sflag:s23] =	ssyncadd.s32 $0xFFFFFFFF  }
0xa5: {  	s26 =	simm.s32 $execute0_lowered;
	[smem:$0x3FD2] =	sst s25  }
0xa6: {  	s4 =	sshll.u32 s26, $0x1;
	_ =	strace $0x80000046;
	[dreg:$0x1] =	wrdreg $0xFFFFFFFF  }
0xa7: {  	s28 =	simm.s32 $_size_execute0_lowered;
	s2 =	sadd.s32 s2, s4;
	[dreg:$0x0] =	wrdreg $0x0  }
0xa8: {  	s4 =	sshll.u32 s28, $0x1;
	[dreg:$0x2] =	wrdreg s2  }
0xa9: {  	[dreg:$0x3] =	wrdreg s4  }
0xaa: {  	[dreg:$0x4] =	wrdreg $0xC0  }
0xab: {  	_ =	task [dreg:s6], $0x5FFFF  }
0xac: {  	[dreg:$0x1] =	wrdreg $0xFFFFFFFF  }
0xad: {  	[dreg:$0x0] =	wrdreg $0x60  }
0xae: {  	[dreg:$0x2] =	wrdreg s24  }
0xaf: {  	[dreg:$0x3] =	wrdreg $0x9  }
0xb0: {  	_ =	task.clear_ibuf [dreg:s6], $0x4FFFF;
	_ =	strace $0x90000046  }
0xb1: {  	s29 =	simm.s32 $0x9;
	_ =	strace $0x80000048  }
0xb2: {  	_ =	swait.ge [sflag:s29], $0x1  }
0xb3: {  	[sflag:s29] =	ssyncadd.s32 $0xFFFFFFFF  }
0xb4: {  	_ =	strace $0x90000048  }
0xb5: {  	_ =	sfence  }
0xb6: {  	s30 =	sld [smem:$0x0];
	_ =	sdelay $0x2  }
0xb7: {  	s31 =	sshll.u32 s1, $0xD;
	s1 =	sshrl.u32 s1, $0x2  }
0xb8: {  	s3 =	sand.u32 $0x4000, s31;
	s1 =	sadd.s32 s1, s30  }
0xb9: {  	s0 =	sor.u32 s3, s0;
	s1 =	sshll.u32 s1, $0x11  }
0xba: {  	s0 =	sor.u32 s1, s0  }
0xbb: {  	s0 =	sadd.s32 $0x8F2B, s0  }
0xbc: {  	[sflag:s0] =	ssyncadd.remote.s32 $0x1  }
0xbd: {  	_ =	sfence.sel $0xFFFF  }
0xbe: {  	[dreg:$0x0] =	wrdreg $0xFFFFFFFF;
	(pc) =	sbr.abs _section_cstart, $3  }
0xbf: {  	[dreg:$0x1] =	wrdreg $0xFFFFFFFF  }
0xc0: {  	_ =	task.clear_ibuf [dreg:s6], $0x2FFFF;
	_ =	strace $0x9FFFFFFF  }
0xc1: {  	(tm) =	ssettm $0x7FFFFFFF  }
tec
execute0_lowered:
.L_overlay_start_1:
0x0: {  	(tag) =	ssettag $0x1  }
0x1: {  	s1 =	stileid.u32  }
0x2: {  	p0 =	sgt.u32 s1, $0x6  }
.Ltmp0:
0x3: {  	_ = 	snop;
	(pc) =	sbr.rel @p0 .LBB2_4-.Ltmp0, $4  }
0x4: {  	_ = 	snop  }
0x5: {  	s4 =	rddreg [dreg:$0x0];
	s2 =	simm.s32 $0x0  }
0x6: {  	[smem:$0x7FF] =	sst s2  }
0x7: {  	s0 =	rddreg [dreg:$0x1];
	_ =	strace $0x80000047  }
0x8: {  	s9 =	sadd.s32 $0x600, s4;
	s3 =	srdreg.scid  }
0x9: {  	s6 =	sshll.u32 s1, $0x1;
	s5 =	sand.u32 $0x1, s3;
	s3 =	simm.s32 $0x1  }
0xa: {  	[tilespmem:s2], [sflag:$0x1] =	stream.linear.gather [hbm4b:s9+s2], $0x680, $0x38;
	[tilespmem:$0x700] =	vst v63  }
0xb: {  	s6 =	sor.u32 s5, s6;
	_ =	swait.ge [sflag:s3], $0x680  }
0xc: {  	s11 =	sshll.u32 s6, $0x4;
	[sflag:s3] =	ssyncset.done $0x0  }
0xd: {  	s12 =	sand.u32 $0xF0, s11;
	[sflag:s3] =	ssyncadd.s32 $0xFFFFF980  }
0xe: {  	v0 =	vld [tilespmem:s12+$0x380]  }
0xf: {  	v2 =	vld [tilespmem:s11+$0x460];
	_ =	sdelay $0x2  }
0x10: {  	s5 =	ssub.s32 $0x2, s5  }
0x11: {  	s10 =	sshrl.u32 s5, $0x1;
	v1 =	vmin.f32 v0, $5.000000070e-02;
	v3 =	vmin.f32 v0, $2.000000030e-01  }
0x12: {  	s10 =	ssub.s32 s5, s10;
	v4 =	vmin.f32 v2, $7.999999820e-02;
	v5 =	vmul.f32 v2, v0;
	v6 =	vmin.f32 v2, $1.500000060e-01  }
0x13: {  	s13 =	smax.u32 s10, $0x1;
	v0 =	vmin.f32 v0, $1.000000010e-01;
	v1 =	vmul.f32 v4, v1;
	v4 =	vmin.f32 v2, $3.000000120e-01  }
0x14: {  	p0 =	sne.s32 s13, $0x1;
	v2 =	vmul.f32 v6, v0;
	v7 =	vadd.f32 $4.000000190e-03, v5;
	v0 =	vadd.f32 $1.499999970e-02, v5  }
.Ltmp1:
0x15: {  	s7 =	sadd.s32 $0x800, s4;
	v3 =	vmul.f32 v4, v3;
	v6 =	vadd.f32 $5.999999870e-02, v5;
	v4 =	vld [tilespmem:s11+$0x2A0];
	(pc) =	sbr.rel @!p0 .LBB2_3-.Ltmp1, $4  }
0x16: {  	s29 =	sshll.u32 s6, $0x1;
	s8 =	sadd.s32 $0x1C0, s11;
	s30 =	sshrl.u32 s11, $0x3;
	v5 =	vld [tilespmem:s11+$0x1C0];
	v8 =	vsub.f32 v7, v1  }
0x17: {  	s4 =	sadd.s32 s7, s29;
	s6 =	sadd.s32 s7, s30;
	s31 =	sshrl.u32 s8, $0x3;
	v10 =	vsub.f32 v0, v2;
	v7 =	vsub.f32 v6, v3;
	v6 =	vld [tilespmem:s11+$0x0]  }
0x18: {  	s8 =	simm.s32 $0x680;
	s10 =	simm.s32 $0x690;
	s5 =	sadd.s32 $0x1C, s6  }
0x19: {  	s6 =	sadd.s32 s7, s31;
	s7 =	simm.s32 $0x6A0;
	s13 =	sadd.s32 $0xFFFFFFFF, s13;
	v0 =	vimm.s32 $0x0;
	v9 =	vadd.f32 $1.000000020e-16, v8;
	v8 =	vadd.f32 $1.000000020e-16, v10  }
.LBB2_2:
0x1a: {  	p0 =	sne.s32 s13, $0x1;
	s13 =	sadd.s32 $0xFFFFFFFF, s13;
	v4 =	vmul.f32 $6.400000000e+01, v4  }
0x1b: {  	v7 =	vadd.f32 $1.000000020e-16, v7;
	v5 =	vmul.f32 $6.400000000e+01, v5;
	(erf) = vrcp.f32 v9  }
0x1c: {  	v6 =	vtrunc.f32 v6;
	(erf) = vrcp.f32 v8  }
0x1d: {  	v6 =	vcvt.f32.s32 v6;
	(erf) = vrcp.f32 v7  }
0x1e: {  	v4 =	vtrunc.f32 v4;
	v5 =	vtrunc.f32 v5  }
0x1f: {  	v4 =	vcvt.f32.s32 v4;
	v5 =	vcvt.f32.s32 v5  }
0x20: {  	v6 =	vshll.u32 v6, $0xC  }
0x21: {  	v4 =	vshll.u32 v4, $0x6;
	v6 =	vadd.s32 v5, v6;
	v5 =	vand.u32 $0x7, v5  }
0x22: {  	v4 =	vadd.s32 v4, v6;
	vm0 =	vne.s32 v5, $0x0  }
0x23: {  	v5 =	vshra.s32 v4, $0x1F;
	vm1 =	vlt.s32 v4, $0x1  }
0x24: {  	v5 =	vshrl.u32 v5, $0x1D;
	vm0 =	vmand vm0, vm1;
	v6 =	vpop (erf)  }
0x25: {  	v5 =	vadd.s32 v5, v4;
	v7 =	vsel vm0, $0xFFFFFFFF, v0;
	v8 =	vpop (erf)  }
0x26: {  	v1 =	vmul.f32 v6, v1;
	v5 =	vshra.s32 v5, $0x3;
	v2 =	vmul.f32 v8, v2;
	v6 =	vpop (erf)  }
0x27: {  	v5 =	vadd.s32 v7, v5;
	v3 =	vmul.f32 v6, v3  }
0x28: {  	vm0 =	vgt.f32 v2, v1;
	v1 =	vmax.f32 v1, v2;
	[tilespmem:$0x680] =	vst v5;
	v2 =	vshll.u32 v5, $0x3  }
0x29: {  	v5 =	vsel vm0, $0x1, v0;
	vm0 =	vgt.f32 v3, v1;
	v1 =	vsub.s32 v4, v2  }
0x2a: {  	v2 =	vsel vm0, $0x2, v5;
	[tilespmem:$0x690] =	vst v1  }
0x2b: {  	[tilespmem:$0x6A0] =	vst v2  }
0x2c: {  	[hbm4b:s4+s2] =	stream.linear.scatter [tilespmem:s8], [sflag:$0x1], $0x10, $0x38;
	[tilespmem:$0x700] =	vst v63  }
0x2d: {  	_ =	swait.ge [sflag:s3], $0x10  }
0x2e: {  	[sflag:s3] =	ssyncset.done $0x0  }
0x2f: {  	[sflag:s3] =	ssyncadd.s32 $0xFFFFFFF0  }
0x30: {  	[hbm4b:s5+s2] =	stream.linear.scatter [tilespmem:s10], [sflag:$0x1], $0x10, $0x38;
	[tilespmem:$0x700] =	vst v63  }
0x31: {  	_ =	swait.ge [sflag:s3], $0x10  }
0x32: {  	[sflag:s3] =	ssyncset.done $0x0  }
0x33: {  	[sflag:s3] =	ssyncadd.s32 $0xFFFFFFF0  }
0x34: {  	[hbm4b:s6+s2] =	stream.linear.scatter [tilespmem:s7], [sflag:$0x1], $0x10, $0x38;
	[tilespmem:$0x700] =	vst v63  }
0x35: {  	_ =	swait.ge [sflag:s3], $0x10  }
0x36: {  	[sflag:s3] =	ssyncset.done $0x0  }
0x37: {  	[sflag:s3] =	ssyncadd.s32 $0xFFFFFFF0  }
0x38: {  	[tilespmem:s2], [sflag:$0x1] =	stream.linear.gather [hbm4b:s9+s2], $0x680, $0x38;
	[tilespmem:$0x700] =	vst v63  }
0x39: {  	_ =	swait.ge [sflag:s3], $0x680  }
0x3a: {  	[sflag:s3] =	ssyncset.done $0x0  }
0x3b: {  	[sflag:s3] =	ssyncadd.s32 $0xFFFFF980  }
0x3c: {  	v2 =	vld [tilespmem:s12+$0x380]  }
0x3d: {  	v3 =	vld [tilespmem:s11+$0x460];
	_ =	sdelay $0x3  }
0x3e: {  	v1 =	vmin.f32 v2, $5.000000070e-02;
	v6 =	vmin.f32 v2, $2.000000030e-01  }
0x3f: {  	v4 =	vmin.f32 v3, $7.999999820e-02;
	v7 =	vmul.f32 v3, v2;
	v5 =	vmin.f32 v3, $1.500000060e-01  }
0x40: {  	v2 =	vmin.f32 v2, $1.000000010e-01;
	v3 =	vmin.f32 v3, $3.000000120e-01;
	v1 =	vmul.f32 v4, v1  }
.Ltmp2:
0x41: {  	v2 =	vmul.f32 v5, v2;
	v4 =	vld [tilespmem:s11+$0x2A0];
	v8 =	vadd.f32 $4.000000190e-03, v7;
	v9 =	vadd.f32 $1.499999970e-02, v7;
	(pc) =	sbr.rel @p0 .LBB2_2-.Ltmp2, $4  }
0x42: {  	v3 =	vmul.f32 v3, v6;
	v7 =	vadd.f32 $5.999999870e-02, v7;
	v5 =	vld [tilespmem:s11+$0x1C0]  }
0x43: {  	v6 =	vld [tilespmem:s11+$0x0];
	v8 =	vsub.f32 v8, v1;
	v10 =	vsub.f32 v9, v2  }
0x44: {  	v7 =	vsub.f32 v7, v3  }
0x45: {  	v9 =	vadd.f32 $1.000000020e-16, v8;
	v8 =	vadd.f32 $1.000000020e-16, v10  }
.LBB2_3:
0x46: {  	v4 =	vmul.f32 $6.400000000e+01, v4  }
0x47: {  	v7 =	vadd.f32 $1.000000020e-16, v7;
	v5 =	vmul.f32 $6.400000000e+01, v5;
	(erf) = vrcp.f32 v9  }
0x48: {  	v6 =	vtrunc.f32 v6;
	(erf) = vrcp.f32 v8  }
0x49: {  	v4 =	vtrunc.f32 v4;
	(erf) = vrcp.f32 v7  }
0x4a: {  	v6 =	vcvt.f32.s32 v6;
	v5 =	vtrunc.f32 v5  }
0x4b: {  	v4 =	vcvt.f32.s32 v4;
	v5 =	vcvt.f32.s32 v5  }
0x4c: {  	v6 =	vshll.u32 v6, $0xC  }
0x4d: {  	v4 =	vshll.u32 v4, $0x6;
	v6 =	vadd.s32 v5, v6  }
0x4e: {  	v5 =	vand.u32 $0x7, v5;
	v4 =	vadd.s32 v4, v6  }
0x4f: {  	vm0 =	vne.s32 v5, $0x0;
	v57 =	vshra.s32 v4, $0x1F;
	vm1 =	vlt.s32 v4, $0x1  }
0x50: {  	v5 =	vshrl.u32 v57, $0x1D;
	vm0 =	vmand vm0, vm1;
	v58 =	vpop (erf)  }
0x51: {  	v5 =	vadd.s32 v5, v4;
	v59 =	vsel vm0, $0xFFFFFFFF, v0;
	v8 =	vpop (erf)  }
0x52: {  	v1 =	vmul.f32 v58, v1;
	v5 =	vshra.s32 v5, $0x3;
	v2 =	vmul.f32 v8, v2;
	v60 =	vpop (erf)  }
0x53: {  	v5 =	vadd.s32 v59, v5;
	v3 =	vmul.f32 v60, v3  }
0x54: {  	v61 =	vshll.u32 v5, $0x3;
	vm14 =	vgt.f32 v2, v1;
	v1 =	vmax.f32 v1, v2  }
0x55: {  	[tilespmem:$0x680] =	vst v5;
	v63 =	vsub.s32 v4, v61;
	v62 =	vsel vm14, $0x1, v0;
	vm15 =	vgt.f32 v3, v1  }
0x56: {  	[tilespmem:$0x690] =	vst v63;
	v0 =	vsel vm15, $0x2, v62  }
0x57: {  	[tilespmem:$0x6A0] =	vst v0  }
0x58: {  	[hbm4b:s4+s2] =	stream.linear.scatter [tilespmem:s8], [sflag:$0x1], $0x10, $0x38;
	[tilespmem:$0x700] =	vst v63  }
0x59: {  	_ =	swait.ge [sflag:s3], $0x10  }
0x5a: {  	[sflag:s3] =	ssyncset.done $0x0  }
0x5b: {  	[sflag:s3] =	ssyncadd.s32 $0xFFFFFFF0  }
0x5c: {  	[hbm4b:s5+s2] =	stream.linear.scatter [tilespmem:s10], [sflag:$0x1], $0x10, $0x38;
	[tilespmem:$0x700] =	vst v63  }
0x5d: {  	_ =	swait.ge [sflag:s3], $0x10  }
0x5e: {  	[sflag:s3] =	ssyncset.done $0x0  }
0x5f: {  	[sflag:s3] =	ssyncadd.s32 $0xFFFFFFF0  }
0x60: {  	[hbm4b:s6+s2] =	stream.linear.scatter [tilespmem:s7], [sflag:$0x1], $0x10, $0x38;
	[tilespmem:$0x700] =	vst v63  }
0x61: {  	_ =	swait.ge [sflag:s3], $0x10  }
0x62: {  	[sflag:s3] =	ssyncset.done $0x0  }
0x63: {  	[sflag:s3] =	ssyncadd.s32 $0xFFFFFFF0  }
.LBB2_4:
0x64: {  	_ =	sfence.sel $0x180000  }
0x65: {  	[bflag:$0x0] =	sbarrier.arrive $0xFFFF  }
0x66: {  	p0 =	sne.s32 s1, $0x0;
	_ =	strace $0x90000047  }
0x67: {  	s0 =	sadd.s32 @!p0 $0x100000, s0;
	[bflag:$0x2] =	sbarrier.arrive $0xFFFF  }
0x68: {  	[sflag:s0] =	ssyncadd.tile.s32 @!p0 $0x1;
	_ =	shalt  }
.Lfunc_end2:
_tile_overlayer_lowered:
.L_overlay_start_2:
0x69: {  	(tag) =	ssettag $0x2  }
0x6a: {  	s0 =	rddreg [dreg:$0x0];
	s2 =	stileid.u32  }
0x6b: {  	s1 =	rddreg [dreg:$0x1];
	p0 =	sne.s32 s2, $0x0  }
0x6c: {  	s3 =	rddreg [dreg:$0x2];
	[bflag:$0x3] =	sbarrier.arrive $0xFFFF;
	s2 =	simm.s32 @!p0 $0x1C01  }
0x6d: {  	[timem:s3], [sflag:s2] =	dma.local @!p0 [hbm:s0], s1  }
0x6e: {  	s0 =	simm.s32 @!p0 $0x1  }
0x6f: {  	_ =	swait.ge @!p0 [sflag:s0], s1  }
0x70: {  	s1 =	ssub.s32 @!p0 $0x0, s1;
	[sflag:s0] =	ssyncset.done @!p0 $0x0  }
0x71: {  	[sflag:s0] =	ssyncadd.s32 @!p0 s1  }
0x72: {  	[bflag:$0x3] =	sbarrier.arrive $0xFFFF  }
0x73: {  	_ =	shalt  }

</sc_bundles>
